<compile_context>
chip_gen: v7x
topology: tpu7x:2x2x1
jax: 0.10.2.dev20260603
libtpu: 0.0.44.dev20260713+nightly
codegen_flags: <defaults>
</compile_context>

<pallas_src>
import functools

import jax
import jax.numpy as jnp
from jax import lax
from jax.experimental import pallas as pl
from jax.experimental.pallas import tpu as pltpu
from jax.experimental.pallas import tpu_sc as plsc

N_NODES = 10000
N_EDGES = 320000
D_IN = 128
D_OUT = 128
DEG_W = 16

NC = 2
NS = 16
NW = NC * NS
CHUNK = 80
EDGES_PER_W = N_EDGES // NW
CHUNKS_PER_W = EDGES_PER_W // CHUNK
IDX_BLK = 25
N_IDX_LOADS = CHUNKS_PER_W // IDX_BLK
ROWS_PER_TILE = N_NODES // NS


def _sc_aggregate(x, edge_index):
    mesh = plsc.VectorSubcoreMesh(
        core_axis_name="c", subcore_axis_name="s", num_cores=NC, num_subcores=NS
    )

    @functools.partial(
        pl.kernel,
        out_type=(
            jax.ShapeDtypeStruct((NC, N_NODES, D_IN), jnp.float32),
            jax.ShapeDtypeStruct((NC, N_NODES, DEG_W), jnp.float32),
        ),
        mesh=mesh,
        compiler_params=pltpu.CompilerParams(use_tc_tiling_on_sc=False),
        scratch_types=[
            pltpu.VMEM_SHARED((N_NODES, D_IN), jnp.float32),
            pltpu.VMEM_SHARED((N_NODES, DEG_W), jnp.float32),
            pltpu.VMEM((IDX_BLK * CHUNK,), jnp.int32),
            pltpu.VMEM((IDX_BLK * CHUNK,), jnp.int32),
            pltpu.VMEM((CHUNK, D_IN), jnp.float32),
            pltpu.VMEM((CHUNK, D_IN), jnp.float32),
            pltpu.VMEM((CHUNK, D_IN), jnp.float32),
            pltpu.VMEM((CHUNK, DEG_W), jnp.float32),
            pltpu.VMEM((CHUNK, DEG_W), jnp.float32),
            pltpu.SemaphoreType.DMA,
            pltpu.SemaphoreType.DMA,
            pltpu.SemaphoreType.DMA,
            pltpu.SemaphoreType.DMA,
            pltpu.SemaphoreType.DMA,
        ],
    )
    def k(x_hbm, ei_hbm, out_hbm, deg_hbm, agg_sh, deg_sh, src_v,
          dst_v, rows_a, rows_b, rows_c, ones_v, zdeg_v, gsa, gsb, gsc, ssa,
          dsem):
        cid = lax.axis_index("c")
        sid = lax.axis_index("s")
        wid = cid * NS + sid

        zero16 = jnp.zeros((16,), jnp.float32)
        one16 = jnp.ones((16,), jnp.float32)

        def fill(r, carry):
            for j in range(D_IN // 16):
                rows_a[r, pl.ds(j * 16, 16)] = zero16
            ones_v[r, pl.ds(0, DEG_W)] = one16
            zdeg_v[r, pl.ds(0, DEG_W)] = zero16
            return carry

        lax.fori_loop(0, CHUNK, fill, 0)
        row0 = sid * ROWS_PER_TILE
        nfull = ROWS_PER_TILE // CHUNK
        for i in range(nfull):
            pltpu.sync_copy(rows_a, agg_sh.at[pl.ds(row0 + i * CHUNK, CHUNK)])
            pltpu.sync_copy(zdeg_v, deg_sh.at[pl.ds(row0 + i * CHUNK, CHUNK)])
        rem = ROWS_PER_TILE % CHUNK
        if rem:
            pltpu.sync_copy(rows_a.at[pl.ds(0, rem)],
                            agg_sh.at[pl.ds(row0 + nfull * CHUNK, rem)])
            pltpu.sync_copy(zdeg_v.at[pl.ds(0, rem)],
                            deg_sh.at[pl.ds(row0 + nfull * CHUNK, rem)])
        plsc.subcore_barrier()

        base = wid * CHUNKS_PER_W

        def wait_g(sem):
            pltpu.make_async_copy(x_hbm.at[src_v.at[pl.ds(0, CHUNK)]], rows_a, sem).wait()

        def wait_s(sem):
            pltpu.make_async_copy(rows_a, agg_sh.at[dst_v.at[pl.ds(0, CHUNK)]], sem).wait()

        def wait_d():
            pltpu.make_async_copy(ones_v, deg_sh.at[dst_v.at[pl.ds(0, CHUNK)]], dsem).wait()

        def drain_deg():
            def w(_, c):
                wait_d()
                return c
            lax.fori_loop(0, IDX_BLK, w, 0)

        def gather(kk, buf, sem):
            pltpu.async_copy(x_hbm.at[src_v.at[pl.ds(kk * CHUNK, CHUNK)]], buf, sem)

        def scatter(kk, buf, sem):
            pltpu.async_copy(buf, agg_sh.at[dst_v.at[pl.ds(kk * CHUNK, CHUNK)]], sem, add=True)
            pltpu.async_copy(ones_v, deg_sh.at[dst_v.at[pl.ds(kk * CHUNK, CHUNK)]], dsem, add=True)

        def outer(blk, carry):
            lax.cond(blk > 0, lambda: (wait_s(ssa), drain_deg())[1], lambda: None)
            e0 = (base + blk * IDX_BLK) * CHUNK
            pltpu.sync_copy(ei_hbm.at[0, pl.ds(e0, IDX_BLK * CHUNK)], src_v)
            pltpu.sync_copy(ei_hbm.at[1, pl.ds(e0, IDX_BLK * CHUNK)], dst_v)

            gather(0, rows_a, gsa)
            gather(1, rows_b, gsb)
            wait_g(gsa)
            gather(2, rows_c, gsc)
            scatter(0, rows_a, ssa)

            def triple(i, c2):
                for d, (nxt, nsem, cur, csem) in (
                    (1, (rows_a, gsa, rows_b, gsb)),
                    (2, (rows_b, gsb, rows_c, gsc)),
                    (3, (rows_c, gsc, rows_a, gsa)),
                ):
                    kk = 3 * i + d
                    wait_g(csem)
                    wait_s(ssa)
                    lax.cond(kk + 2 <= IDX_BLK - 1,
                             (lambda kk=kk, nxt=nxt, nsem=nsem:
                              gather(kk + 2, nxt, nsem)),
                             lambda: None)
                    scatter(kk, cur, ssa)
                return c2

            lax.fori_loop(0, (IDX_BLK - 1) // 3, triple, 0)
            return carry

        lax.fori_loop(0, N_IDX_LOADS, outer, 0)
        wait_s(ssa)
        drain_deg()
        plsc.subcore_barrier()

        pltpu.sync_copy(
            agg_sh.at[pl.ds(row0, ROWS_PER_TILE)],
            out_hbm.at[cid, pl.ds(row0, ROWS_PER_TILE)],
        )
        pltpu.sync_copy(
            deg_sh.at[pl.ds(row0, ROWS_PER_TILE)],
            deg_hbm.at[cid, pl.ds(row0, ROWS_PER_TILE)],
        )

    return k(x, edge_index)


def _tc_body(agg_ref, deg_ref, x_ref, wlT_ref, wrT_ref, b_ref, out_ref):
    a = agg_ref[0] + agg_ref[1]
    deg = jnp.maximum(deg_ref[0, :, 0:1] + deg_ref[1, :, 0:1], 1.0)
    mean = a / deg
    acc = jnp.dot(mean, wlT_ref[...], preferred_element_type=jnp.float32)
    acc += jnp.dot(x_ref[...], wrT_ref[...], preferred_element_type=jnp.float32)
    out_ref[...] = acc + b_ref[...]


def _tc_combine(agg2, deg2, x, W_l, W_r, b):
    BLK = 2000
    grid = (N_NODES // BLK,)
    return pl.pallas_call(
        _tc_body,
        grid=grid,
        in_specs=[
            pl.BlockSpec((NC, BLK, D_IN), lambda i: (0, i, 0)),
            pl.BlockSpec((NC, BLK, DEG_W), lambda i: (0, i, 0)),
            pl.BlockSpec((BLK, D_IN), lambda i: (i, 0)),
            pl.BlockSpec((D_IN, D_OUT), lambda i: (0, 0)),
            pl.BlockSpec((D_IN, D_OUT), lambda i: (0, 0)),
            pl.BlockSpec((1, D_OUT), lambda i: (0, 0)),
        ],
        out_specs=pl.BlockSpec((BLK, D_OUT), lambda i: (i, 0)),
        out_shape=jax.ShapeDtypeStruct((N_NODES, D_OUT), jnp.float32),
    )(agg2, deg2, x, W_l.T, W_r.T, b.reshape(1, D_OUT))


def kernel(x, edge_index, W_l, W_r, b):
    agg2, deg2 = _sc_aggregate(x, edge_index.astype(jnp.int32))
    return _tc_combine(agg2, deg2, x, W_l, W_r, b)

# --- scband reference (transcript-rebuilt; emitter-appended) ---
"""Pipeline reference for scband-sageconv-56908316672596 (READ-ONLY COPY).

The authoritative reference and input builder live on the scoring server;
editing this copy changes nothing except your own understanding.
"""

import jax, jax.numpy as jnp
import numpy as np

N_NODES = 10000
N_EDGES = 320000
D_IN = 128
D_OUT = 128


def setup_inputs(seed: int = 0) -> dict:
    key = jax.random.key(seed)
    k_x, k_ei, k_wl, k_wr, k_b = jax.random.split(key, 5)
    x = jax.random.normal(k_x, (N_NODES, D_IN), dtype=jnp.float32)
    edge_index = jax.random.randint(k_ei, (2, N_EDGES), 0, N_NODES, dtype=jnp.int64)
    # Learned parameters of pyg.nn.SAGEConv(dim_in, dim_out):
    #   lin_l: applied to mean-aggregated neighbor features
    #   lin_r: applied to root (self) features
    scale = 1.0 / np.sqrt(D_IN)
    W_l = jax.random.uniform(k_wl, (D_OUT, D_IN), dtype=jnp.float32, minval=-scale, maxval=scale)
    W_r = jax.random.uniform(k_wr, (D_OUT, D_IN), dtype=jnp.float32, minval=-scale, maxval=scale)
    b = jax.random.uniform(k_b, (D_OUT,), dtype=jnp.float32, minval=-scale, maxval=scale)
    return {"x": x, "edge_index": edge_index, "W_l": W_l, "W_r": W_r, "b": b}


def reference(x, edge_index, W_l, W_r, b):
    # PyG SAGEConv with default mean aggregation and root_weight=True:
    #   out = lin_l(mean_{j in N(i)} x_j) + lin_r(x_i) + bias
    src = edge_index[0]
    dst = edge_index[1]
    msgs = jnp.take(x, src, axis=0)                      # gather source features [E, D_IN]
    agg = jax.ops.segment_sum(msgs, dst, num_segments=N_NODES)   # scatter-add to dst
    deg = jax.ops.segment_sum(jnp.ones((N_EDGES,), dtype=x.dtype), dst, num_segments=N_NODES)
    mean = agg / jnp.clip(deg, 1.0, None)[:, None]       # mean aggregation
    out = mean @ W_l.T + x @ W_r.T + b
    return out

if __name__ == "__main__":
    import jax
    _d = setup_inputs()
    print(jax.jit(kernel)(*tuple(_d.values())))

</pallas_src>

<mosaic_0001>
#map = affine_map<(d0, d1) -> (0, 0)>
#map1 = affine_map<(d0, d1) -> (0, 0, 0)>
module attributes {stable_mosaic.version = 14 : i64} {
  func.func @k(%arg0: i32, %arg1: i32, %arg2: memref<10000x128xf32, #tpu.memory_space<hbm>>, %arg3: memref<2x320000xi32, #tpu.memory_space<hbm>>, %arg4: memref<2x10000x128xf32, #tpu.memory_space<hbm>>, %arg5: memref<2x10000x16xf32, #tpu.memory_space<hbm>>, %arg6: memref<10000x128xf32, #tpu.memory_space<vmem_shared>>, %arg7: memref<10000x16xf32, #tpu.memory_space<vmem_shared>>, %arg8: memref<2000xi32, #tpu.memory_space<vmem>>, %arg9: memref<2000xi32, #tpu.memory_space<vmem>>, %arg10: memref<80x128xf32, #tpu.memory_space<vmem>>, %arg11: memref<80x128xf32, #tpu.memory_space<vmem>>, %arg12: memref<80x128xf32, #tpu.memory_space<vmem>>, %arg13: memref<80x16xf32, #tpu.memory_space<vmem>>, %arg14: memref<80x16xf32, #tpu.memory_space<vmem>>, %arg15: memref<!tpu.dma_semaphore, #tpu.memory_space<semaphore_mem>>, %arg16: memref<!tpu.dma_semaphore, #tpu.memory_space<semaphore_mem>>, %arg17: memref<!tpu.dma_semaphore, #tpu.memory_space<semaphore_mem>>, %arg18: memref<!tpu.dma_semaphore, #tpu.memory_space<semaphore_mem>>, %arg19: memref<!tpu.dma_semaphore, #tpu.memory_space<semaphore_mem>>) attributes {dimension_semantics = [#tpu.dimension_semantics<core_parallel>, #tpu.dimension_semantics<subcore_parallel>], iteration_bounds = array<i64: 2, 16>, scalar_prefetch = 0 : i64, scratch_operands = 14 : i64, tpu.core_type = #tpu.core_type<sc_vector_subcore>, window_params = [{transform_indices = #map}, {transform_indices = #map}, {transform_indices = #map1}, {transform_indices = #map1}]} {
    %mul3A = arith.constant 16 : i32
    %mul3A_0 = arith.muli %arg0, %mul3A : i32
    %add3A = arith.addi %mul3A_0, %arg1 : i32
    %broadcast_in_dim3A = arith.constant 0.000000e+00 : f32
    %broadcast_in_dim3A_1 = vector.broadcast %broadcast_in_dim3A : f32 to vector<16xf32>
    %broadcast_in_dim3A_2 = arith.constant 1.000000e+00 : f32
    %broadcast_in_dim3A_3 = vector.broadcast %broadcast_in_dim3A_2 : f32 to vector<16xf32>
    %scan3A = arith.constant 0 : i32
    %scan3A_4 = arith.constant 0 : i32
    %scan3A_5 = arith.constant 80 : i32
    %scan3A_6 = arith.addi %scan3A_4, %scan3A_5 : i32
    %scan3A_7 = arith.constant 1 : i32
    scf.for %scan3A_62 = %scan3A_4 to %scan3A_6 step %scan3A_7  : i32 {
      %swap3A = arith.index_cast %scan3A_62 : i32 to index
      %swap3A_63 = arith.constant 0 : index
      %swap3A_64 = tpu.vector_load %arg10[%swap3A, %swap3A_63] {strides = array<i32>} : memref<80x128xf32, #tpu.memory_space<vmem>>, vector<1x16xf32>,
      %swap3A_65 = vector.shape_cast %swap3A_64 : vector<1x16xf32> to vector<16xf32>
      %swap3A_66 = vector.shape_cast %broadcast_in_dim3A_1 : vector<16xf32> to vector<1x16xf32>
      tpu.vector_store %arg10[%swap3A, %swap3A_63], %swap3A_66 {strides = array<i32>} : memref<80x128xf32, #tpu.memory_space<vmem>>, vector<1x16xf32>,
      %swap3A_67 = arith.index_cast %scan3A_62 : i32 to index
      %swap3A_68 = arith.constant 16 : index
      %swap3A_69 = tpu.vector_load %arg10[%swap3A_67, %swap3A_68] {strides = array<i32>} : memref<80x128xf32, #tpu.memory_space<vmem>>, vector<1x16xf32>,
      %swap3A_70 = vector.shape_cast %swap3A_69 : vector<1x16xf32> to vector<16xf32>
      %swap3A_71 = vector.shape_cast %broadcast_in_dim3A_1 : vector<16xf32> to vector<1x16xf32>
      tpu.vector_store %arg10[%swap3A_67, %swap3A_68], %swap3A_71 {strides = array<i32>} : memref<80x128xf32, #tpu.memory_space<vmem>>, vector<1x16xf32>,
      %swap3A_72 = arith.index_cast %scan3A_62 : i32 to index
      %swap3A_73 = arith.constant 32 : index
      %swap3A_74 = tpu.vector_load %arg10[%swap3A_72, %swap3A_73] {strides = array<i32>} : memref<80x128xf32, #tpu.memory_space<vmem>>, vector<1x16xf32>,
      %swap3A_75 = vector.shape_cast %swap3A_74 : vector<1x16xf32> to vector<16xf32>
      %swap3A_76 = vector.shape_cast %broadcast_in_dim3A_1 : vector<16xf32> to vector<1x16xf32>
      tpu.vector_store %arg10[%swap3A_72, %swap3A_73], %swap3A_76 {strides = array<i32>} : memref<80x128xf32, #tpu.memory_space<vmem>>, vector<1x16xf32>,
      %swap3A_77 = arith.index_cast %scan3A_62 : i32 to index
      %swap3A_78 = arith.constant 48 : index
      %swap3A_79 = tpu.vector_load %arg10[%swap3A_77, %swap3A_78] {strides = array<i32>} : memref<80x128xf32, #tpu.memory_space<vmem>>, vector<1x16xf32>,
      %swap3A_80 = vector.shape_cast %swap3A_79 : vector<1x16xf32> to vector<16xf32>
      %swap3A_81 = vector.shape_cast %broadcast_in_dim3A_1 : vector<16xf32> to vector<1x16xf32>
      tpu.vector_store %arg10[%swap3A_77, %swap3A_78], %swap3A_81 {strides = array<i32>} : memref<80x128xf32, #tpu.memory_space<vmem>>, vector<1x16xf32>,
      %swap3A_82 = arith.index_cast %scan3A_62 : i32 to index
      %swap3A_83 = arith.constant 64 : index
      %swap3A_84 = tpu.vector_load %arg10[%swap3A_82, %swap3A_83] {strides = array<i32>} : memref<80x128xf32, #tpu.memory_space<vmem>>, vector<1x16xf32>,
      %swap3A_85 = vector.shape_cast %swap3A_84 : vector<1x16xf32> to vector<16xf32>
      %swap3A_86 = vector.shape_cast %broadcast_in_dim3A_1 : vector<16xf32> to vector<1x16xf32>
      tpu.vector_store %arg10[%swap3A_82, %swap3A_83], %swap3A_86 {strides = array<i32>} : memref<80x128xf32, #tpu.memory_space<vmem>>, vector<1x16xf32>,
      %swap3A_87 = arith.index_cast %scan3A_62 : i32 to index
      %swap3A_88 = arith.constant 80 : index
      %swap3A_89 = tpu.vector_load %arg10[%swap3A_87, %swap3A_88] {strides = array<i32>} : memref<80x128xf32, #tpu.memory_space<vmem>>, vector<1x16xf32>,
      %swap3A_90 = vector.shape_cast %swap3A_89 : vector<1x16xf32> to vector<16xf32>
      %swap3A_91 = vector.shape_cast %broadcast_in_dim3A_1 : vector<16xf32> to vector<1x16xf32>
      tpu.vector_store %arg10[%swap3A_87, %swap3A_88], %swap3A_91 {strides = array<i32>} : memref<80x128xf32, #tpu.memory_space<vmem>>, vector<1x16xf32>,
      %swap3A_92 = arith.index_cast %scan3A_62 : i32 to index
      %swap3A_93 = arith.constant 96 : index
      %swap3A_94 = tpu.vector_load %arg10[%swap3A_92, %swap3A_93] {strides = array<i32>} : memref<80x128xf32, #tpu.memory_space<vmem>>, vector<1x16xf32>,
      %swap3A_95 = vector.shape_cast %swap3A_94 : vector<1x16xf32> to vector<16xf32>
      %swap3A_96 = vector.shape_cast %broadcast_in_dim3A_1 : vector<16xf32> to vector<1x16xf32>
      tpu.vector_store %arg10[%swap3A_92, %swap3A_93], %swap3A_96 {strides = array<i32>} : memref<80x128xf32, #tpu.memory_space<vmem>>, vector<1x16xf32>,
      %swap3A_97 = arith.index_cast %scan3A_62 : i32 to index
      %swap3A_98 = arith.constant 112 : index
      %swap3A_99 = tpu.vector_load %arg10[%swap3A_97, %swap3A_98] {strides = array<i32>} : memref<80x128xf32, #tpu.memory_space<vmem>>, vector<1x16xf32>,
      %swap3A_100 = vector.shape_cast %swap3A_99 : vector<1x16xf32> to vector<16xf32>
      %swap3A_101 = vector.shape_cast %broadcast_in_dim3A_1 : vector<16xf32> to vector<1x16xf32>
      tpu.vector_store %arg10[%swap3A_97, %swap3A_98], %swap3A_101 {strides = array<i32>} : memref<80x128xf32, #tpu.memory_space<vmem>>, vector<1x16xf32>,
      %swap3A_102 = arith.index_cast %scan3A_62 : i32 to index
      %swap3A_103 = arith.constant 0 : index
      %swap3A_104 = tpu.vector_load %arg13[%swap3A_102, %swap3A_103] {strides = array<i32>} : memref<80x16xf32, #tpu.memory_space<vmem>>, vector<1x16xf32>,
      %swap3A_105 = vector.shape_cast %swap3A_104 : vector<1x16xf32> to vector<16xf32>
      %swap3A_106 = vector.shape_cast %broadcast_in_dim3A_3 : vector<16xf32> to vector<1x16xf32>
      tpu.vector_store %arg13[%swap3A_102, %swap3A_103], %swap3A_106 {strides = array<i32>} : memref<80x16xf32, #tpu.memory_space<vmem>>, vector<1x16xf32>,
      %swap3A_107 = arith.index_cast %scan3A_62 : i32 to index
      %swap3A_108 = arith.constant 0 : index
      %swap3A_109 = tpu.vector_load %arg14[%swap3A_107, %swap3A_108] {strides = array<i32>} : memref<80x16xf32, #tpu.memory_space<vmem>>, vector<1x16xf32>,
      %swap3A_110 = vector.shape_cast %swap3A_109 : vector<1x16xf32> to vector<16xf32>
      %swap3A_111 = vector.shape_cast %broadcast_in_dim3A_1 : vector<16xf32> to vector<1x16xf32>
      tpu.vector_store %arg14[%swap3A_107, %swap3A_108], %swap3A_111 {strides = array<i32>} : memref<80x16xf32, #tpu.memory_space<vmem>>, vector<1x16xf32>,
    }
    %scan3A_8 = arith.constant 80 : i32
    %mul3A_9 = arith.constant 625 : i32
    %mul3A_10 = arith.muli %arg1, %mul3A_9 : i32
    %add3A_11 = arith.constant 0 : i32
    %add3A_12 = arith.addi %mul3A_10, %add3A_11 : i32
    "tpu.region"() ({
      %run_scoped3A = tpu.sem_alloc : memref<!tpu.dma_semaphore, #tpu.memory_space<semaphore_mem>>
      %dma_start3A = arith.constant 0 : i32
      %dma_start3A_62 = tpu.memref_slice %arg6[%add3A_12, %dma_start3A] : memref<10000x128xf32, #tpu.memory_space<vmem_shared>> -> memref<80x128xf32, #tpu.memory_space<vmem_shared>>
      %dma_start3A_63 = arith.constant 0 : i32
      %dma_start3A_64 = tpu.memref_slice %arg6[%add3A_12, %dma_start3A_63] : memref<10000x128xf32, #tpu.memory_space<vmem_shared>> -> memref<80x128xf32, #tpu.memory_space<vmem_shared>>
      tpu.enqueue_dma source(%arg10 : memref<80x128xf32, #tpu.memory_space<vmem>>) target(%dma_start3A_64 : memref<80x128xf32, #tpu.memory_space<vmem_shared>>) target_semaphore(%run_scoped3A : memref<!tpu.dma_semaphore, #tpu.memory_space<semaphore_mem>>)
      %dma_wait3A_65 = arith.constant 0 : i32
      %dma_wait3A_66 = tpu.memref_slice %arg6[%add3A_12, %dma_wait3A_65] : memref<10000x128xf32, #tpu.memory_space<vmem_shared>> -> memref<80x128xf32, #tpu.memory_space<vmem_shared>>
      %dma_wait3A_67 = arith.constant 0 : i32
      %dma_wait3A_68 = tpu.memref_slice %arg6[%add3A_12, %dma_wait3A_67] : memref<10000x128xf32, #tpu.memory_space<vmem_shared>> -> memref<80x128xf32, #tpu.memory_space<vmem_shared>>
      tpu.wait_dma2 semaphore(%run_scoped3A : memref<!tpu.dma_semaphore, #tpu.memory_space<semaphore_mem>>) src(%arg10 : memref<80x128xf32, #tpu.memory_space<vmem>>) dst(%dma_wait3A_68 : memref<80x128xf32, #tpu.memory_space<vmem_shared>>)
      tpu.yield
    }) : () -> ()
    %add3A_13 = arith.constant 0 : i32
    %add3A_14 = arith.addi %mul3A_10, %add3A_13 : i32
    "tpu.region"() ({
      %run_scoped3A = tpu.sem_alloc : memref<!tpu.dma_semaphore, #tpu.memory_space<semaphore_mem>>
      %dma_start3A = arith.constant 0 : i32
      %dma_start3A_62 = tpu.memref_slice %arg7[%add3A_14, %dma_start3A] : memref<10000x16xf32, #tpu.memory_space<vmem_shared>> -> memref<80x16xf32, #tpu.memory_space<vmem_shared>>
      %dma_start3A_63 = arith.constant 0 : i32
      %dma_start3A_64 = tpu.memref_slice %arg7[%add3A_14, %dma_start3A_63] : memref<10000x16xf32, #tpu.memory_space<vmem_shared>> -> memref<80x16xf32, #tpu.memory_space<vmem_shared>>
      tpu.enqueue_dma source(%arg14 : memref<80x16xf32, #tpu.memory_space<vmem>>) target(%dma_start3A_64 : memref<80x16xf32, #tpu.memory_space<vmem_shared>>) target_semaphore(%run_scoped3A : memref<!tpu.dma_semaphore, #tpu.memory_space<semaphore_mem>>)
      %dma_wait3A_65 = arith.constant 0 : i32
      %dma_wait3A_66 = tpu.memref_slice %arg7[%add3A_14, %dma_wait3A_65] : memref<10000x16xf32, #tpu.memory_space<vmem_shared>> -> memref<80x16xf32, #tpu.memory_space<vmem_shared>>
      %dma_wait3A_67 = arith.constant 0 : i32
      %dma_wait3A_68 = tpu.memref_slice %arg7[%add3A_14, %dma_wait3A_67] : memref<10000x16xf32, #tpu.memory_space<vmem_shared>> -> memref<80x16xf32, #tpu.memory_space<vmem_shared>>
      tpu.wait_dma2 semaphore(%run_scoped3A : memref<!tpu.dma_semaphore, #tpu.memory_space<semaphore_mem>>) src(%arg14 : memref<80x16xf32, #tpu.memory_space<vmem>>) dst(%dma_wait3A_68 : memref<80x16xf32, #tpu.memory_space<vmem_shared>>)
      tpu.yield
    }) : () -> ()
    %add3A_15 = arith.constant 80 : i32
    %add3A_16 = arith.addi %mul3A_10, %add3A_15 : i32
    "tpu.region"() ({
      %run_scoped3A = tpu.sem_alloc : memref<!tpu.dma_semaphore, #tpu.memory_space<semaphore_mem>>
      %dma_start3A = arith.constant 0 : i32
      %dma_start3A_62 = tpu.memref_slice %arg6[%add3A_16, %dma_start3A] : memref<10000x128xf32, #tpu.memory_space<vmem_shared>> -> memref<80x128xf32, #tpu.memory_space<vmem_shared>>
      %dma_start3A_63 = arith.constant 0 : i32
      %dma_start3A_64 = tpu.memref_slice %arg6[%add3A_16, %dma_start3A_63] : memref<10000x128xf32, #tpu.memory_space<vmem_shared>> -> memref<80x128xf32, #tpu.memory_space<vmem_shared>>
      tpu.enqueue_dma source(%arg10 : memref<80x128xf32, #tpu.memory_space<vmem>>) target(%dma_start3A_64 : memref<80x128xf32, #tpu.memory_space<vmem_shared>>) target_semaphore(%run_scoped3A : memref<!tpu.dma_semaphore, #tpu.memory_space<semaphore_mem>>)
      %dma_wait3A_65 = arith.constant 0 : i32
      %dma_wait3A_66 = tpu.memref_slice %arg6[%add3A_16, %dma_wait3A_65] : memref<10000x128xf32, #tpu.memory_space<vmem_shared>> -> memref<80x128xf32, #tpu.memory_space<vmem_shared>>
      %dma_wait3A_67 = arith.constant 0 : i32
      %dma_wait3A_68 = tpu.memref_slice %arg6[%add3A_16, %dma_wait3A_67] : memref<10000x128xf32, #tpu.memory_space<vmem_shared>> -> memref<80x128xf32, #tpu.memory_space<vmem_shared>>
      tpu.wait_dma2 semaphore(%run_scoped3A : memref<!tpu.dma_semaphore, #tpu.memory_space<semaphore_mem>>) src(%arg10 : memref<80x128xf32, #tpu.memory_space<vmem>>) dst(%dma_wait3A_68 : memref<80x128xf32, #tpu.memory_space<vmem_shared>>)
      tpu.yield
    }) : () -> ()
    %add3A_17 = arith.constant 80 : i32
    %add3A_18 = arith.addi %mul3A_10, %add3A_17 : i32
    "tpu.region"() ({
      %run_scoped3A = tpu.sem_alloc : memref<!tpu.dma_semaphore, #tpu.memory_space<semaphore_mem>>
      %dma_start3A = arith.constant 0 : i32
      %dma_start3A_62 = tpu.memref_slice %arg7[%add3A_18, %dma_start3A] : memref<10000x16xf32, #tpu.memory_space<vmem_shared>> -> memref<80x16xf32, #tpu.memory_space<vmem_shared>>
      %dma_start3A_63 = arith.constant 0 : i32
      %dma_start3A_64 = tpu.memref_slice %arg7[%add3A_18, %dma_start3A_63] : memref<10000x16xf32, #tpu.memory_space<vmem_shared>> -> memref<80x16xf32, #tpu.memory_space<vmem_shared>>
      tpu.enqueue_dma source(%arg14 : memref<80x16xf32, #tpu.memory_space<vmem>>) target(%dma_start3A_64 : memref<80x16xf32, #tpu.memory_space<vmem_shared>>) target_semaphore(%run_scoped3A : memref<!tpu.dma_semaphore, #tpu.memory_space<semaphore_mem>>)
      %dma_wait3A_65 = arith.constant 0 : i32
      %dma_wait3A_66 = tpu.memref_slice %arg7[%add3A_18, %dma_wait3A_65] : memref<10000x16xf32, #tpu.memory_space<vmem_shared>> -> memref<80x16xf32, #tpu.memory_space<vmem_shared>>
      %dma_wait3A_67 = arith.constant 0 : i32
      %dma_wait3A_68 = tpu.memref_slice %arg7[%add3A_18, %dma_wait3A_67] : memref<10000x16xf32, #tpu.memory_space<vmem_shared>> -> memref<80x16xf32, #tpu.memory_space<vmem_shared>>
      tpu.wait_dma2 semaphore(%run_scoped3A : memref<!tpu.dma_semaphore, #tpu.memory_space<semaphore_mem>>) src(%arg14 : memref<80x16xf32, #tpu.memory_space<vmem>>) dst(%dma_wait3A_68 : memref<80x16xf32, #tpu.memory_space<vmem_shared>>)
      tpu.yield
    }) : () -> ()
    %add3A_19 = arith.constant 160 : i32
    %add3A_20 = arith.addi %mul3A_10, %add3A_19 : i32
    "tpu.region"() ({
      %run_scoped3A = tpu.sem_alloc : memref<!tpu.dma_semaphore, #tpu.memory_space<semaphore_mem>>
      %dma_start3A = arith.constant 0 : i32
      %dma_start3A_62 = tpu.memref_slice %arg6[%add3A_20, %dma_start3A] : memref<10000x128xf32, #tpu.memory_space<vmem_shared>> -> memref<80x128xf32, #tpu.memory_space<vmem_shared>>
      %dma_start3A_63 = arith.constant 0 : i32
      %dma_start3A_64 = tpu.memref_slice %arg6[%add3A_20, %dma_start3A_63] : memref<10000x128xf32, #tpu.memory_space<vmem_shared>> -> memref<80x128xf32, #tpu.memory_space<vmem_shared>>
      tpu.enqueue_dma source(%arg10 : memref<80x128xf32, #tpu.memory_space<vmem>>) target(%dma_start3A_64 : memref<80x128xf32, #tpu.memory_space<vmem_shared>>) target_semaphore(%run_scoped3A : memref<!tpu.dma_semaphore, #tpu.memory_space<semaphore_mem>>)
      %dma_wait3A_65 = arith.constant 0 : i32
      %dma_wait3A_66 = tpu.memref_slice %arg6[%add3A_20, %dma_wait3A_65] : memref<10000x128xf32, #tpu.memory_space<vmem_shared>> -> memref<80x128xf32, #tpu.memory_space<vmem_shared>>
      %dma_wait3A_67 = arith.constant 0 : i32
      %dma_wait3A_68 = tpu.memref_slice %arg6[%add3A_20, %dma_wait3A_67] : memref<10000x128xf32, #tpu.memory_space<vmem_shared>> -> memref<80x128xf32, #tpu.memory_space<vmem_shared>>
      tpu.wait_dma2 semaphore(%run_scoped3A : memref<!tpu.dma_semaphore, #tpu.memory_space<semaphore_mem>>) src(%arg10 : memref<80x128xf32, #tpu.memory_space<vmem>>) dst(%dma_wait3A_68 : memref<80x128xf32, #tpu.memory_space<vmem_shared>>)
      tpu.yield
    }) : () -> ()
    %add3A_21 = arith.constant 160 : i32
    %add3A_22 = arith.addi %mul3A_10, %add3A_21 : i32
    "tpu.region"() ({
      %run_scoped3A = tpu.sem_alloc : memref<!tpu.dma_semaphore, #tpu.memory_space<semaphore_mem>>
      %dma_start3A = arith.constant 0 : i32
      %dma_start3A_62 = tpu.memref_slice %arg7[%add3A_22, %dma_start3A] : memref<10000x16xf32, #tpu.memory_space<vmem_shared>> -> memref<80x16xf32, #tpu.memory_space<vmem_shared>>
      %dma_start3A_63 = arith.constant 0 : i32
      %dma_start3A_64 = tpu.memref_slice %arg7[%add3A_22, %dma_start3A_63] : memref<10000x16xf32, #tpu.memory_space<vmem_shared>> -> memref<80x16xf32, #tpu.memory_space<vmem_shared>>
      tpu.enqueue_dma source(%arg14 : memref<80x16xf32, #tpu.memory_space<vmem>>) target(%dma_start3A_64 : memref<80x16xf32, #tpu.memory_space<vmem_shared>>) target_semaphore(%run_scoped3A : memref<!tpu.dma_semaphore, #tpu.memory_space<semaphore_mem>>)
      %dma_wait3A_65 = arith.constant 0 : i32
      %dma_wait3A_66 = tpu.memref_slice %arg7[%add3A_22, %dma_wait3A_65] : memref<10000x16xf32, #tpu.memory_space<vmem_shared>> -> memref<80x16xf32, #tpu.memory_space<vmem_shared>>
      %dma_wait3A_67 = arith.constant 0 : i32
      %dma_wait3A_68 = tpu.memref_slice %arg7[%add3A_22, %dma_wait3A_67] : memref<10000x16xf32, #tpu.memory_space<vmem_shared>> -> memref<80x16xf32, #tpu.memory_space<vmem_shared>>
      tpu.wait_dma2 semaphore(%run_scoped3A : memref<!tpu.dma_semaphore, #tpu.memory_space<semaphore_mem>>) src(%arg14 : memref<80x16xf32, #tpu.memory_space<vmem>>) dst(%dma_wait3A_68 : memref<80x16xf32, #tpu.memory_space<vmem_shared>>)
      tpu.yield
    }) : () -> ()
    %add3A_23 = arith.constant 240 : i32
    %add3A_24 = arith.addi %mul3A_10, %add3A_23 : i32
    "tpu.region"() ({
      %run_scoped3A = tpu.sem_alloc : memref<!tpu.dma_semaphore, #tpu.memory_space<semaphore_mem>>
      %dma_start3A = arith.constant 0 : i32
      %dma_start3A_62 = tpu.memref_slice %arg6[%add3A_24, %dma_start3A] : memref<10000x128xf32, #tpu.memory_space<vmem_shared>> -> memref<80x128xf32, #tpu.memory_space<vmem_shared>>
      %dma_start3A_63 = arith.constant 0 : i32
      %dma_start3A_64 = tpu.memref_slice %arg6[%add3A_24, %dma_start3A_63] : memref<10000x128xf32, #tpu.memory_space<vmem_shared>> -> memref<80x128xf32, #tpu.memory_space<vmem_shared>>
      tpu.enqueue_dma source(%arg10 : memref<80x128xf32, #tpu.memory_space<vmem>>) target(%dma_start3A_64 : memref<80x128xf32, #tpu.memory_space<vmem_shared>>) target_semaphore(%run_scoped3A : memref<!tpu.dma_semaphore, #tpu.memory_space<semaphore_mem>>)
      %dma_wait3A_65 = arith.constant 0 : i32
      %dma_wait3A_66 = tpu.memref_slice %arg6[%add3A_24, %dma_wait3A_65] : memref<10000x128xf32, #tpu.memory_space<vmem_shared>> -> memref<80x128xf32, #tpu.memory_space<vmem_shared>>
      %dma_wait3A_67 = arith.constant 0 : i32
      %dma_wait3A_68 = tpu.memref_slice %arg6[%add3A_24, %dma_wait3A_67] : memref<10000x128xf32, #tpu.memory_space<vmem_shared>> -> memref<80x128xf32, #tpu.memory_space<vmem_shared>>
      tpu.wait_dma2 semaphore(%run_scoped3A : memref<!tpu.dma_semaphore, #tpu.memory_space<semaphore_mem>>) src(%arg10 : memref<80x128xf32, #tpu.memory_space<vmem>>) dst(%dma_wait3A_68 : memref<80x128xf32, #tpu.memory_space<vmem_shared>>)
      tpu.yield
    }) : () -> ()
    %add3A_25 = arith.constant 240 : i32
    %add3A_26 = arith.addi %mul3A_10, %add3A_25 : i32
    "tpu.region"() ({
      %run_scoped3A = tpu.sem_alloc : memref<!tpu.dma_semaphore, #tpu.memory_space<semaphore_mem>>
      %dma_start3A = arith.constant 0 : i32
      %dma_start3A_62 = tpu.memref_slice %arg7[%add3A_26, %dma_start3A] : memref<10000x16xf32, #tpu.memory_space<vmem_shared>> -> memref<80x16xf32, #tpu.memory_space<vmem_shared>>
      %dma_start3A_63 = arith.constant 0 : i32
      %dma_start3A_64 = tpu.memref_slice %arg7[%add3A_26, %dma_start3A_63] : memref<10000x16xf32, #tpu.memory_space<vmem_shared>> -> memref<80x16xf32, #tpu.memory_space<vmem_shared>>
      tpu.enqueue_dma source(%arg14 : memref<80x16xf32, #tpu.memory_space<vmem>>) target(%dma_start3A_64 : memref<80x16xf32, #tpu.memory_space<vmem_shared>>) target_semaphore(%run_scoped3A : memref<!tpu.dma_semaphore, #tpu.memory_space<semaphore_mem>>)
      %dma_wait3A_65 = arith.constant 0 : i32
      %dma_wait3A_66 = tpu.memref_slice %arg7[%add3A_26, %dma_wait3A_65] : memref<10000x16xf32, #tpu.memory_space<vmem_shared>> -> memref<80x16xf32, #tpu.memory_space<vmem_shared>>
      %dma_wait3A_67 = arith.constant 0 : i32
      %dma_wait3A_68 = tpu.memref_slice %arg7[%add3A_26, %dma_wait3A_67] : memref<10000x16xf32, #tpu.memory_space<vmem_shared>> -> memref<80x16xf32, #tpu.memory_space<vmem_shared>>
      tpu.wait_dma2 semaphore(%run_scoped3A : memref<!tpu.dma_semaphore, #tpu.memory_space<semaphore_mem>>) src(%arg14 : memref<80x16xf32, #tpu.memory_space<vmem>>) dst(%dma_wait3A_68 : memref<80x16xf32, #tpu.memory_space<vmem_shared>>)
      tpu.yield
    }) : () -> ()
    %add3A_27 = arith.constant 320 : i32
    %add3A_28 = arith.addi %mul3A_10, %add3A_27 : i32
    "tpu.region"() ({
      %run_scoped3A = tpu.sem_alloc : memref<!tpu.dma_semaphore, #tpu.memory_space<semaphore_mem>>
      %dma_start3A = arith.constant 0 : i32
      %dma_start3A_62 = tpu.memref_slice %arg6[%add3A_28, %dma_start3A] : memref<10000x128xf32, #tpu.memory_space<vmem_shared>> -> memref<80x128xf32, #tpu.memory_space<vmem_shared>>
      %dma_start3A_63 = arith.constant 0 : i32
      %dma_start3A_64 = tpu.memref_slice %arg6[%add3A_28, %dma_start3A_63] : memref<10000x128xf32, #tpu.memory_space<vmem_shared>> -> memref<80x128xf32, #tpu.memory_space<vmem_shared>>
      tpu.enqueue_dma source(%arg10 : memref<80x128xf32, #tpu.memory_space<vmem>>) target(%dma_start3A_64 : memref<80x128xf32, #tpu.memory_space<vmem_shared>>) target_semaphore(%run_scoped3A : memref<!tpu.dma_semaphore, #tpu.memory_space<semaphore_mem>>)
      %dma_wait3A_65 = arith.constant 0 : i32
      %dma_wait3A_66 = tpu.memref_slice %arg6[%add3A_28, %dma_wait3A_65] : memref<10000x128xf32, #tpu.memory_space<vmem_shared>> -> memref<80x128xf32, #tpu.memory_space<vmem_shared>>
      %dma_wait3A_67 = arith.constant 0 : i32
      %dma_wait3A_68 = tpu.memref_slice %arg6[%add3A_28, %dma_wait3A_67] : memref<10000x128xf32, #tpu.memory_space<vmem_shared>> -> memref<80x128xf32, #tpu.memory_space<vmem_shared>>
      tpu.wait_dma2 semaphore(%run_scoped3A : memref<!tpu.dma_semaphore, #tpu.memory_space<semaphore_mem>>) src(%arg10 : memref<80x128xf32, #tpu.memory_space<vmem>>) dst(%dma_wait3A_68 : memref<80x128xf32, #tpu.memory_space<vmem_shared>>)
      tpu.yield
    }) : () -> ()
    %add3A_29 = arith.constant 320 : i32
    %add3A_30 = arith.addi %mul3A_10, %add3A_29 : i32
    "tpu.region"() ({
      %run_scoped3A = tpu.sem_alloc : memref<!tpu.dma_semaphore, #tpu.memory_space<semaphore_mem>>
      %dma_start3A = arith.constant 0 : i32
      %dma_start3A_62 = tpu.memref_slice %arg7[%add3A_30, %dma_start3A] : memref<10000x16xf32, #tpu.memory_space<vmem_shared>> -> memref<80x16xf32, #tpu.memory_space<vmem_shared>>
      %dma_start3A_63 = arith.constant 0 : i32
      %dma_start3A_64 = tpu.memref_slice %arg7[%add3A_30, %dma_start3A_63] : memref<10000x16xf32, #tpu.memory_space<vmem_shared>> -> memref<80x16xf32, #tpu.memory_space<vmem_shared>>
      tpu.enqueue_dma source(%arg14 : memref<80x16xf32, #tpu.memory_space<vmem>>) target(%dma_start3A_64 : memref<80x16xf32, #tpu.memory_space<vmem_shared>>) target_semaphore(%run_scoped3A : memref<!tpu.dma_semaphore, #tpu.memory_space<semaphore_mem>>)
      %dma_wait3A_65 = arith.constant 0 : i32
      %dma_wait3A_66 = tpu.memref_slice %arg7[%add3A_30, %dma_wait3A_65] : memref<10000x16xf32, #tpu.memory_space<vmem_shared>> -> memref<80x16xf32, #tpu.memory_space<vmem_shared>>
      %dma_wait3A_67 = arith.constant 0 : i32
      %dma_wait3A_68 = tpu.memref_slice %arg7[%add3A_30, %dma_wait3A_67] : memref<10000x16xf32, #tpu.memory_space<vmem_shared>> -> memref<80x16xf32, #tpu.memory_space<vmem_shared>>
      tpu.wait_dma2 semaphore(%run_scoped3A : memref<!tpu.dma_semaphore, #tpu.memory_space<semaphore_mem>>) src(%arg14 : memref<80x16xf32, #tpu.memory_space<vmem>>) dst(%dma_wait3A_68 : memref<80x16xf32, #tpu.memory_space<vmem_shared>>)
      tpu.yield
    }) : () -> ()
    %add3A_31 = arith.constant 400 : i32
    %add3A_32 = arith.addi %mul3A_10, %add3A_31 : i32
    "tpu.region"() ({
      %run_scoped3A = tpu.sem_alloc : memref<!tpu.dma_semaphore, #tpu.memory_space<semaphore_mem>>
      %dma_start3A = arith.constant 0 : i32
      %dma_start3A_62 = tpu.memref_slice %arg6[%add3A_32, %dma_start3A] : memref<10000x128xf32, #tpu.memory_space<vmem_shared>> -> memref<80x128xf32, #tpu.memory_space<vmem_shared>>
      %dma_start3A_63 = arith.constant 0 : i32
      %dma_start3A_64 = tpu.memref_slice %arg6[%add3A_32, %dma_start3A_63] : memref<10000x128xf32, #tpu.memory_space<vmem_shared>> -> memref<80x128xf32, #tpu.memory_space<vmem_shared>>
      tpu.enqueue_dma source(%arg10 : memref<80x128xf32, #tpu.memory_space<vmem>>) target(%dma_start3A_64 : memref<80x128xf32, #tpu.memory_space<vmem_shared>>) target_semaphore(%run_scoped3A : memref<!tpu.dma_semaphore, #tpu.memory_space<semaphore_mem>>)
      %dma_wait3A_65 = arith.constant 0 : i32
      %dma_wait3A_66 = tpu.memref_slice %arg6[%add3A_32, %dma_wait3A_65] : memref<10000x128xf32, #tpu.memory_space<vmem_shared>> -> memref<80x128xf32, #tpu.memory_space<vmem_shared>>
      %dma_wait3A_67 = arith.constant 0 : i32
      %dma_wait3A_68 = tpu.memref_slice %arg6[%add3A_32, %dma_wait3A_67] : memref<10000x128xf32, #tpu.memory_space<vmem_shared>> -> memref<80x128xf32, #tpu.memory_space<vmem_shared>>
      tpu.wait_dma2 semaphore(%run_scoped3A : memref<!tpu.dma_semaphore, #tpu.memory_space<semaphore_mem>>) src(%arg10 : memref<80x128xf32, #tpu.memory_space<vmem>>) dst(%dma_wait3A_68 : memref<80x128xf32, #tpu.memory_space<vmem_shared>>)
      tpu.yield
    }) : () -> ()
    %add3A_33 = arith.constant 400 : i32
    %add3A_34 = arith.addi %mul3A_10, %add3A_33 : i32
    "tpu.region"() ({
      %run_scoped3A = tpu.sem_alloc : memref<!tpu.dma_semaphore, #tpu.memory_space<semaphore_mem>>
      %dma_start3A = arith.constant 0 : i32
      %dma_start3A_62 = tpu.memref_slice %arg7[%add3A_34, %dma_start3A] : memref<10000x16xf32, #tpu.memory_space<vmem_shared>> -> memref<80x16xf32, #tpu.memory_space<vmem_shared>>
      %dma_start3A_63 = arith.constant 0 : i32
      %dma_start3A_64 = tpu.memref_slice %arg7[%add3A_34, %dma_start3A_63] : memref<10000x16xf32, #tpu.memory_space<vmem_shared>> -> memref<80x16xf32, #tpu.memory_space<vmem_shared>>
      tpu.enqueue_dma source(%arg14 : memref<80x16xf32, #tpu.memory_space<vmem>>) target(%dma_start3A_64 : memref<80x16xf32, #tpu.memory_space<vmem_shared>>) target_semaphore(%run_scoped3A : memref<!tpu.dma_semaphore, #tpu.memory_space<semaphore_mem>>)
      %dma_wait3A_65 = arith.constant 0 : i32
      %dma_wait3A_66 = tpu.memref_slice %arg7[%add3A_34, %dma_wait3A_65] : memref<10000x16xf32, #tpu.memory_space<vmem_shared>> -> memref<80x16xf32, #tpu.memory_space<vmem_shared>>
      %dma_wait3A_67 = arith.constant 0 : i32
      %dma_wait3A_68 = tpu.memref_slice %arg7[%add3A_34, %dma_wait3A_67] : memref<10000x16xf32, #tpu.memory_space<vmem_shared>> -> memref<80x16xf32, #tpu.memory_space<vmem_shared>>
      tpu.wait_dma2 semaphore(%run_scoped3A : memref<!tpu.dma_semaphore, #tpu.memory_space<semaphore_mem>>) src(%arg14 : memref<80x16xf32, #tpu.memory_space<vmem>>) dst(%dma_wait3A_68 : memref<80x16xf32, #tpu.memory_space<vmem_shared>>)
      tpu.yield
    }) : () -> ()
    %add3A_35 = arith.constant 480 : i32
    %add3A_36 = arith.addi %mul3A_10, %add3A_35 : i32
    "tpu.region"() ({
      %run_scoped3A = tpu.sem_alloc : memref<!tpu.dma_semaphore, #tpu.memory_space<semaphore_mem>>
      %dma_start3A = arith.constant 0 : i32
      %dma_start3A_62 = tpu.memref_slice %arg6[%add3A_36, %dma_start3A] : memref<10000x128xf32, #tpu.memory_space<vmem_shared>> -> memref<80x128xf32, #tpu.memory_space<vmem_shared>>
      %dma_start3A_63 = arith.constant 0 : i32
      %dma_start3A_64 = tpu.memref_slice %arg6[%add3A_36, %dma_start3A_63] : memref<10000x128xf32, #tpu.memory_space<vmem_shared>> -> memref<80x128xf32, #tpu.memory_space<vmem_shared>>
      tpu.enqueue_dma source(%arg10 : memref<80x128xf32, #tpu.memory_space<vmem>>) target(%dma_start3A_64 : memref<80x128xf32, #tpu.memory_space<vmem_shared>>) target_semaphore(%run_scoped3A : memref<!tpu.dma_semaphore, #tpu.memory_space<semaphore_mem>>)
      %dma_wait3A_65 = arith.constant 0 : i32
      %dma_wait3A_66 = tpu.memref_slice %arg6[%add3A_36, %dma_wait3A_65] : memref<10000x128xf32, #tpu.memory_space<vmem_shared>> -> memref<80x128xf32, #tpu.memory_space<vmem_shared>>
      %dma_wait3A_67 = arith.constant 0 : i32
      %dma_wait3A_68 = tpu.memref_slice %arg6[%add3A_36, %dma_wait3A_67] : memref<10000x128xf32, #tpu.memory_space<vmem_shared>> -> memref<80x128xf32, #tpu.memory_space<vmem_shared>>
      tpu.wait_dma2 semaphore(%run_scoped3A : memref<!tpu.dma_semaphore, #tpu.memory_space<semaphore_mem>>) src(%arg10 : memref<80x128xf32, #tpu.memory_space<vmem>>) dst(%dma_wait3A_68 : memref<80x128xf32, #tpu.memory_space<vmem_shared>>)
      tpu.yield
    }) : () -> ()
    %add3A_37 = arith.constant 480 : i32
    %add3A_38 = arith.addi %mul3A_10, %add3A_37 : i32
    "tpu.region"() ({
      %run_scoped3A = tpu.sem_alloc : memref<!tpu.dma_semaphore, #tpu.memory_space<semaphore_mem>>
      %dma_start3A = arith.constant 0 : i32
      %dma_start3A_62 = tpu.memref_slice %arg7[%add3A_38, %dma_start3A] : memref<10000x16xf32, #tpu.memory_space<vmem_shared>> -> memref<80x16xf32, #tpu.memory_space<vmem_shared>>
      %dma_start3A_63 = arith.constant 0 : i32
      %dma_start3A_64 = tpu.memref_slice %arg7[%add3A_38, %dma_start3A_63] : memref<10000x16xf32, #tpu.memory_space<vmem_shared>> -> memref<80x16xf32, #tpu.memory_space<vmem_shared>>
      tpu.enqueue_dma source(%arg14 : memref<80x16xf32, #tpu.memory_space<vmem>>) target(%dma_start3A_64 : memref<80x16xf32, #tpu.memory_space<vmem_shared>>) target_semaphore(%run_scoped3A : memref<!tpu.dma_semaphore, #tpu.memory_space<semaphore_mem>>)
      %dma_wait3A_65 = arith.constant 0 : i32
      %dma_wait3A_66 = tpu.memref_slice %arg7[%add3A_38, %dma_wait3A_65] : memref<10000x16xf32, #tpu.memory_space<vmem_shared>> -> memref<80x16xf32, #tpu.memory_space<vmem_shared>>
      %dma_wait3A_67 = arith.constant 0 : i32
      %dma_wait3A_68 = tpu.memref_slice %arg7[%add3A_38, %dma_wait3A_67] : memref<10000x16xf32, #tpu.memory_space<vmem_shared>> -> memref<80x16xf32, #tpu.memory_space<vmem_shared>>
      tpu.wait_dma2 semaphore(%run_scoped3A : memref<!tpu.dma_semaphore, #tpu.memory_space<semaphore_mem>>) src(%arg14 : memref<80x16xf32, #tpu.memory_space<vmem>>) dst(%dma_wait3A_68 : memref<80x16xf32, #tpu.memory_space<vmem_shared>>)
      tpu.yield
    }) : () -> ()
    %add3A_39 = arith.constant 560 : i32
    %add3A_40 = arith.addi %mul3A_10, %add3A_39 : i32
    "tpu.region"() ({
      %run_scoped3A = tpu.sem_alloc : memref<!tpu.dma_semaphore, #tpu.memory_space<semaphore_mem>>
      %dma_start3A = arith.constant 0 : i32
      %dma_start3A_62 = arith.constant 0 : i32
      %dma_start3A_63 = tpu.memref_slice %arg10[%dma_start3A, %dma_start3A_62] : memref<80x128xf32, #tpu.memory_space<vmem>> -> memref<65x128xf32, #tpu.memory_space<vmem>>
      %dma_start3A_64 = arith.constant 0 : i32
      %dma_start3A_65 = tpu.memref_slice %arg6[%add3A_40, %dma_start3A_64] : memref<10000x128xf32, #tpu.memory_space<vmem_shared>> -> memref<65x128xf32, #tpu.memory_space<vmem_shared>>
      %dma_start3A_66 = arith.constant 0 : i32
      %dma_start3A_67 = tpu.memref_slice %arg6[%add3A_40, %dma_start3A_66] : memref<10000x128xf32, #tpu.memory_space<vmem_shared>> -> memref<65x128xf32, #tpu.memory_space<vmem_shared>>
      %dma_start3A_68 = arith.constant 0 : i32
      %dma_start3A_69 = arith.constant 0 : i32
      %dma_start3A_70 = tpu.memref_slice %arg10[%dma_start3A_68, %dma_start3A_69] : memref<80x128xf32, #tpu.memory_space<vmem>> -> memref<65x128xf32, #tpu.memory_space<vmem>>
      tpu.enqueue_dma source(%dma_start3A_70 : memref<65x128xf32, #tpu.memory_space<vmem>>) target(%dma_start3A_67 : memref<65x128xf32, #tpu.memory_space<vmem_shared>>) target_semaphore(%run_scoped3A : memref<!tpu.dma_semaphore, #tpu.memory_space<semaphore_mem>>)
      %dma_wait3A_71 = arith.constant 0 : i32
      %dma_wait3A_72 = arith.constant 0 : i32
      %dma_wait3A_73 = tpu.memref_slice %arg10[%dma_wait3A_71, %dma_wait3A_72] : memref<80x128xf32, #tpu.memory_space<vmem>> -> memref<65x128xf32, #tpu.memory_space<vmem>>
      %dma_wait3A_74 = arith.constant 0 : i32
      %dma_wait3A_75 = tpu.memref_slice %arg6[%add3A_40, %dma_wait3A_74] : memref<10000x128xf32, #tpu.memory_space<vmem_shared>> -> memref<65x128xf32, #tpu.memory_space<vmem_shared>>
      %dma_wait3A_76 = arith.constant 0 : i32
      %dma_wait3A_77 = tpu.memref_slice %arg6[%add3A_40, %dma_wait3A_76] : memref<10000x128xf32, #tpu.memory_space<vmem_shared>> -> memref<65x128xf32, #tpu.memory_space<vmem_shared>>
      %dma_wait3A_78 = arith.constant 0 : i32
      %dma_wait3A_79 = arith.constant 0 : i32
      %dma_wait3A_80 = tpu.memref_slice %arg10[%dma_wait3A_78, %dma_wait3A_79] : memref<80x128xf32, #tpu.memory_space<vmem>> -> memref<65x128xf32, #tpu.memory_space<vmem>>
      tpu.wait_dma2 semaphore(%run_scoped3A : memref<!tpu.dma_semaphore, #tpu.memory_space<semaphore_mem>>) src(%dma_wait3A_80 : memref<65x128xf32, #tpu.memory_space<vmem>>) dst(%dma_wait3A_77 : memref<65x128xf32, #tpu.memory_space<vmem_shared>>)
      tpu.yield
    }) : () -> ()
    %add3A_41 = arith.constant 560 : i32
    %add3A_42 = arith.addi %mul3A_10, %add3A_41 : i32
    "tpu.region"() ({
      %run_scoped3A = tpu.sem_alloc : memref<!tpu.dma_semaphore, #tpu.memory_space<semaphore_mem>>
      %dma_start3A = arith.constant 0 : i32
      %dma_start3A_62 = arith.constant 0 : i32
      %dma_start3A_63 = tpu.memref_slice %arg14[%dma_start3A, %dma_start3A_62] : memref<80x16xf32, #tpu.memory_space<vmem>> -> memref<65x16xf32, #tpu.memory_space<vmem>>
      %dma_start3A_64 = arith.constant 0 : i32
      %dma_start3A_65 = tpu.memref_slice %arg7[%add3A_42, %dma_start3A_64] : memref<10000x16xf32, #tpu.memory_space<vmem_shared>> -> memref<65x16xf32, #tpu.memory_space<vmem_shared>>
      %dma_start3A_66 = arith.constant 0 : i32
      %dma_start3A_67 = tpu.memref_slice %arg7[%add3A_42, %dma_start3A_66] : memref<10000x16xf32, #tpu.memory_space<vmem_shared>> -> memref<65x16xf32, #tpu.memory_space<vmem_shared>>
      %dma_start3A_68 = arith.constant 0 : i32
      %dma_start3A_69 = arith.constant 0 : i32
      %dma_start3A_70 = tpu.memref_slice %arg14[%dma_start3A_68, %dma_start3A_69] : memref<80x16xf32, #tpu.memory_space<vmem>> -> memref<65x16xf32, #tpu.memory_space<vmem>>
      tpu.enqueue_dma source(%dma_start3A_70 : memref<65x16xf32, #tpu.memory_space<vmem>>) target(%dma_start3A_67 : memref<65x16xf32, #tpu.memory_space<vmem_shared>>) target_semaphore(%run_scoped3A : memref<!tpu.dma_semaphore, #tpu.memory_space<semaphore_mem>>)
      %dma_wait3A_71 = arith.constant 0 : i32
      %dma_wait3A_72 = arith.constant 0 : i32
      %dma_wait3A_73 = tpu.memref_slice %arg14[%dma_wait3A_71, %dma_wait3A_72] : memref<80x16xf32, #tpu.memory_space<vmem>> -> memref<65x16xf32, #tpu.memory_space<vmem>>
      %dma_wait3A_74 = arith.constant 0 : i32
      %dma_wait3A_75 = tpu.memref_slice %arg7[%add3A_42, %dma_wait3A_74] : memref<10000x16xf32, #tpu.memory_space<vmem_shared>> -> memref<65x16xf32, #tpu.memory_space<vmem_shared>>
      %dma_wait3A_76 = arith.constant 0 : i32
      %dma_wait3A_77 = tpu.memref_slice %arg7[%add3A_42, %dma_wait3A_76] : memref<10000x16xf32, #tpu.memory_space<vmem_shared>> -> memref<65x16xf32, #tpu.memory_space<vmem_shared>>
      %dma_wait3A_78 = arith.constant 0 : i32
      %dma_wait3A_79 = arith.constant 0 : i32
      %dma_wait3A_80 = tpu.memref_slice %arg14[%dma_wait3A_78, %dma_wait3A_79] : memref<80x16xf32, #tpu.memory_space<vmem>> -> memref<65x16xf32, #tpu.memory_space<vmem>>
      tpu.wait_dma2 semaphore(%run_scoped3A : memref<!tpu.dma_semaphore, #tpu.memory_space<semaphore_mem>>) src(%dma_wait3A_80 : memref<65x16xf32, #tpu.memory_space<vmem>>) dst(%dma_wait3A_77 : memref<65x16xf32, #tpu.memory_space<vmem_shared>>)
      tpu.yield
    }) : () -> ()
    %barrier3A = arith.constant 0 : index
    tpu.barrier barrier_id(%barrier3A)
    %mul3A_43 = arith.constant 125 : i32
    %mul3A_44 = arith.muli %add3A, %mul3A_43 : i32
    %scan3A_45 = arith.constant 0 : i32
    %scan3A_46 = arith.constant 0 : i32
    %scan3A_47 = arith.constant 5 : i32
    %scan3A_48 = arith.addi %scan3A_46, %scan3A_47 : i32
    %scan3A_49 = arith.constant 1 : i32
    scf.for %scan3A_62 = %scan3A_46 to %scan3A_48 step %scan3A_49  : i32 {
      %gt3A = arith.constant 0 : i32
      %gt3A_63 = arith.cmpi sgt, %scan3A_62, %gt3A : i32
      %convert_element_type3A = arith.extui %gt3A_63 : i1 to i32
      %cond3A = arith.constant 0 : i32
      %cond3A_64 = arith.cmpi ne, %convert_element_type3A, %cond3A : i32
      scf.if %cond3A_64 {
        %dma_wait3A_106 = arith.constant 0 : i32
        %dma_wait3A_107 = tpu.memref_slice %arg9[%dma_wait3A_106] : memref<2000xi32, #tpu.memory_space<vmem>> -> memref<80xi32, #tpu.memory_space<vmem>>
        %dma_wait3A_108 = arith.constant 0 : i32
        %dma_wait3A_109 = arith.constant 0 : i32
        %dma_wait3A_110 = tpu.memref_slice %arg6[%dma_wait3A_108, %dma_wait3A_109] : memref<10000x128xf32, #tpu.memory_space<vmem_shared>> -> memref<10000x128xf32, #tpu.memory_space<vmem_shared>>
        tpu.wait_indirect_dma semaphore(%arg18 : memref<!tpu.dma_semaphore, #tpu.memory_space<semaphore_mem>>) src(%arg10 : memref<80x128xf32, #tpu.memory_space<vmem>>) dst(%dma_wait3A_110 : memref<10000x128xf32, #tpu.memory_space<vmem_shared>>)
        %scan3A_111 = arith.constant 0 : i32
        %scan3A_112 = arith.constant 0 : i32
        %scan3A_113 = arith.constant 25 : i32
        %scan3A_114 = arith.addi %scan3A_112, %scan3A_113 : i32
        %scan3A_115 = arith.constant 1 : i32
        scf.for %scan3A_117 = %scan3A_112 to %scan3A_114 step %scan3A_115  : i32 {
          %dma_wait3A_118 = arith.constant 0 : i32
          %dma_wait3A_119 = tpu.memref_slice %arg9[%dma_wait3A_118] : memref<2000xi32, #tpu.memory_space<vmem>> -> memref<80xi32, #tpu.memory_space<vmem>>
          %dma_wait3A_120 = arith.constant 0 : i32
          %dma_wait3A_121 = arith.constant 0 : i32
          %dma_wait3A_122 = tpu.memref_slice %arg7[%dma_wait3A_120, %dma_wait3A_121] : memref<10000x16xf32, #tpu.memory_space<vmem_shared>> -> memref<10000x16xf32, #tpu.memory_space<vmem_shared>>
          tpu.wait_indirect_dma semaphore(%arg19 : memref<!tpu.dma_semaphore, #tpu.memory_space<semaphore_mem>>) src(%arg13 : memref<80x16xf32, #tpu.memory_space<vmem>>) dst(%dma_wait3A_122 : memref<10000x16xf32, #tpu.memory_space<vmem_shared>>)
        }
        %scan3A_116 = arith.constant 25 : i32
      } else {
      }
      %mul3A_65 = arith.constant 25 : i32
      %mul3A_66 = arith.muli %scan3A_62, %mul3A_65 : i32
      %add3A_67 = arith.addi %mul3A_44, %mul3A_66 : i32
      %mul3A_68 = arith.constant 80 : i32
      %mul3A_69 = arith.muli %add3A_67, %mul3A_68 : i32
      %run_scoped3A = arith.constant 0 : i32
      "tpu.region"() ({
        %run_scoped3A_106 = tpu.sem_alloc : memref<!tpu.dma_semaphore, #tpu.memory_space<semaphore_mem>>
        %dma_start3A_107 = tpu.memref_slice %arg3[%run_scoped3A, %mul3A_69] : memref<2x320000xi32, #tpu.memory_space<hbm>> -> memref<1x2000xi32, #tpu.memory_space<hbm>>
        %dma_start3A_108 = tpu.memref_squeeze %dma_start3A_107 : memref<1x2000xi32, #tpu.memory_space<hbm>> -> memref<2000xi32, #tpu.memory_space<hbm>>
        %dma_start3A_109 = tpu.memref_slice %arg3[%run_scoped3A, %mul3A_69] : memref<2x320000xi32, #tpu.memory_space<hbm>> -> memref<1x2000xi32, #tpu.memory_space<hbm>>
        %dma_start3A_110 = tpu.memref_squeeze %dma_start3A_109 : memref<1x2000xi32, #tpu.memory_space<hbm>> -> memref<2000xi32, #tpu.memory_space<hbm>>
        tpu.enqueue_dma source(%dma_start3A_110 : memref<2000xi32, #tpu.memory_space<hbm>>) target(%arg8 : memref<2000xi32, #tpu.memory_space<vmem>>) target_semaphore(%run_scoped3A_106 : memref<!tpu.dma_semaphore, #tpu.memory_space<semaphore_mem>>)
        %dma_wait3A_111 = tpu.memref_slice %arg3[%run_scoped3A, %mul3A_69] : memref<2x320000xi32, #tpu.memory_space<hbm>> -> memref<1x2000xi32, #tpu.memory_space<hbm>>
        %dma_wait3A_112 = tpu.memref_squeeze %dma_wait3A_111 : memref<1x2000xi32, #tpu.memory_space<hbm>> -> memref<2000xi32, #tpu.memory_space<hbm>>
        %dma_wait3A_113 = tpu.memref_slice %arg3[%run_scoped3A, %mul3A_69] : memref<2x320000xi32, #tpu.memory_space<hbm>> -> memref<1x2000xi32, #tpu.memory_space<hbm>>
        %dma_wait3A_114 = tpu.memref_squeeze %dma_wait3A_113 : memref<1x2000xi32, #tpu.memory_space<hbm>> -> memref<2000xi32, #tpu.memory_space<hbm>>
        tpu.wait_dma2 semaphore(%run_scoped3A_106 : memref<!tpu.dma_semaphore, #tpu.memory_space<semaphore_mem>>) src(%dma_wait3A_114 : memref<2000xi32, #tpu.memory_space<hbm>>) dst(%arg8 : memref<2000xi32, #tpu.memory_space<vmem>>)
        tpu.yield
      }) : () -> ()
      %run_scoped3A_70 = arith.constant 1 : i32
      "tpu.region"() ({
        %run_scoped3A_106 = tpu.sem_alloc : memref<!tpu.dma_semaphore, #tpu.memory_space<semaphore_mem>>
        %dma_start3A_107 = tpu.memref_slice %arg3[%run_scoped3A_70, %mul3A_69] : memref<2x320000xi32, #tpu.memory_space<hbm>> -> memref<1x2000xi32, #tpu.memory_space<hbm>>
        %dma_start3A_108 = tpu.memref_squeeze %dma_start3A_107 : memref<1x2000xi32, #tpu.memory_space<hbm>> -> memref<2000xi32, #tpu.memory_space<hbm>>
        %dma_start3A_109 = tpu.memref_slice %arg3[%run_scoped3A_70, %mul3A_69] : memref<2x320000xi32, #tpu.memory_space<hbm>> -> memref<1x2000xi32, #tpu.memory_space<hbm>>
        %dma_start3A_110 = tpu.memref_squeeze %dma_start3A_109 : memref<1x2000xi32, #tpu.memory_space<hbm>> -> memref<2000xi32, #tpu.memory_space<hbm>>
        tpu.enqueue_dma source(%dma_start3A_110 : memref<2000xi32, #tpu.memory_space<hbm>>) target(%arg9 : memref<2000xi32, #tpu.memory_space<vmem>>) target_semaphore(%run_scoped3A_106 : memref<!tpu.dma_semaphore, #tpu.memory_space<semaphore_mem>>)
        %dma_wait3A_111 = tpu.memref_slice %arg3[%run_scoped3A_70, %mul3A_69] : memref<2x320000xi32, #tpu.memory_space<hbm>> -> memref<1x2000xi32, #tpu.memory_space<hbm>>
        %dma_wait3A_112 = tpu.memref_squeeze %dma_wait3A_111 : memref<1x2000xi32, #tpu.memory_space<hbm>> -> memref<2000xi32, #tpu.memory_space<hbm>>
        %dma_wait3A_113 = tpu.memref_slice %arg3[%run_scoped3A_70, %mul3A_69] : memref<2x320000xi32, #tpu.memory_space<hbm>> -> memref<1x2000xi32, #tpu.memory_space<hbm>>
        %dma_wait3A_114 = tpu.memref_squeeze %dma_wait3A_113 : memref<1x2000xi32, #tpu.memory_space<hbm>> -> memref<2000xi32, #tpu.memory_space<hbm>>
        tpu.wait_dma2 semaphore(%run_scoped3A_106 : memref<!tpu.dma_semaphore, #tpu.memory_space<semaphore_mem>>) src(%dma_wait3A_114 : memref<2000xi32, #tpu.memory_space<hbm>>) dst(%arg9 : memref<2000xi32, #tpu.memory_space<vmem>>)
        tpu.yield
      }) : () -> ()
      %dma_start3A = arith.constant 0 : i32
      %dma_start3A_71 = tpu.memref_slice %arg8[%dma_start3A] : memref<2000xi32, #tpu.memory_space<vmem>> -> memref<80xi32, #tpu.memory_space<vmem>>
      %dma_start3A_72 = arith.constant 0 : i32
      %dma_start3A_73 = arith.constant 0 : i32
      %dma_start3A_74 = tpu.memref_slice %arg2[%dma_start3A_72, %dma_start3A_73] : memref<10000x128xf32, #tpu.memory_space<hbm>> -> memref<10000x128xf32, #tpu.memory_space<hbm>>
      tpu.enqueue_indirect_dma source(%dma_start3A_74 : memref<10000x128xf32, #tpu.memory_space<hbm>>) target(%arg10 : memref<80x128xf32, #tpu.memory_space<vmem>>) offsets(%dma_start3A_71 : memref<80xi32, #tpu.memory_space<vmem>>) semaphore(%arg15 : memref<!tpu.dma_semaphore, #tpu.memory_space<semaphore_mem>>)
      %dma_start3A_75 = arith.constant 80 : i32
      %dma_start3A_76 = tpu.memref_slice %arg8[%dma_start3A_75] : memref<2000xi32, #tpu.memory_space<vmem>> -> memref<80xi32, #tpu.memory_space<vmem>>
      %dma_start3A_77 = arith.constant 0 : i32
      %dma_start3A_78 = arith.constant 0 : i32
      %dma_start3A_79 = tpu.memref_slice %arg2[%dma_start3A_77, %dma_start3A_78] : memref<10000x128xf32, #tpu.memory_space<hbm>> -> memref<10000x128xf32, #tpu.memory_space<hbm>>
      tpu.enqueue_indirect_dma source(%dma_start3A_79 : memref<10000x128xf32, #tpu.memory_space<hbm>>) target(%arg11 : memref<80x128xf32, #tpu.memory_space<vmem>>) offsets(%dma_start3A_76 : memref<80xi32, #tpu.memory_space<vmem>>) semaphore(%arg16 : memref<!tpu.dma_semaphore, #tpu.memory_space<semaphore_mem>>)
      %dma_wait3A_80 = arith.constant 0 : i32
      %dma_wait3A_81 = tpu.memref_slice %arg8[%dma_wait3A_80] : memref<2000xi32, #tpu.memory_space<vmem>> -> memref<80xi32, #tpu.memory_space<vmem>>
      %dma_wait3A_82 = arith.constant 0 : i32
      %dma_wait3A_83 = arith.constant 0 : i32
      %dma_wait3A_84 = tpu.memref_slice %arg2[%dma_wait3A_82, %dma_wait3A_83] : memref<10000x128xf32, #tpu.memory_space<hbm>> -> memref<10000x128xf32, #tpu.memory_space<hbm>>
      tpu.wait_indirect_dma semaphore(%arg15 : memref<!tpu.dma_semaphore, #tpu.memory_space<semaphore_mem>>) src(%dma_wait3A_84 : memref<10000x128xf32, #tpu.memory_space<hbm>>) dst(%arg10 : memref<80x128xf32, #tpu.memory_space<vmem>>)
      %dma_start3A_85 = arith.constant 160 : i32
      %dma_start3A_86 = tpu.memref_slice %arg8[%dma_start3A_85] : memref<2000xi32, #tpu.memory_space<vmem>> -> memref<80xi32, #tpu.memory_space<vmem>>
      %dma_start3A_87 = arith.constant 0 : i32
      %dma_start3A_88 = arith.constant 0 : i32
      %dma_start3A_89 = tpu.memref_slice %arg2[%dma_start3A_87, %dma_start3A_88] : memref<10000x128xf32, #tpu.memory_space<hbm>> -> memref<10000x128xf32, #tpu.memory_space<hbm>>
      tpu.enqueue_indirect_dma source(%dma_start3A_89 : memref<10000x128xf32, #tpu.memory_space<hbm>>) target(%arg12 : memref<80x128xf32, #tpu.memory_space<vmem>>) offsets(%dma_start3A_86 : memref<80xi32, #tpu.memory_space<vmem>>) semaphore(%arg17 : memref<!tpu.dma_semaphore, #tpu.memory_space<semaphore_mem>>)
      %dma_start3A_90 = arith.constant 0 : i32
      %dma_start3A_91 = tpu.memref_slice %arg9[%dma_start3A_90] : memref<2000xi32, #tpu.memory_space<vmem>> -> memref<80xi32, #tpu.memory_space<vmem>>
      %dma_start3A_92 = arith.constant 0 : i32
      %dma_start3A_93 = arith.constant 0 : i32
      %dma_start3A_94 = tpu.memref_slice %arg6[%dma_start3A_92, %dma_start3A_93] : memref<10000x128xf32, #tpu.memory_space<vmem_shared>> -> memref<10000x128xf32, #tpu.memory_space<vmem_shared>>
      tpu.enqueue_indirect_dma source(%arg10 : memref<80x128xf32, #tpu.memory_space<vmem>>) target(%dma_start3A_94 : memref<10000x128xf32, #tpu.memory_space<vmem_shared>>) offsets(%dma_start3A_91 : memref<80xi32, #tpu.memory_space<vmem>>) semaphore(%arg18 : memref<!tpu.dma_semaphore, #tpu.memory_space<semaphore_mem>>) {add = true}
      %dma_start3A_95 = arith.constant 0 : i32
      %dma_start3A_96 = tpu.memref_slice %arg9[%dma_start3A_95] : memref<2000xi32, #tpu.memory_space<vmem>> -> memref<80xi32, #tpu.memory_space<vmem>>
      %dma_start3A_97 = arith.constant 0 : i32
      %dma_start3A_98 = arith.constant 0 : i32
      %dma_start3A_99 = tpu.memref_slice %arg7[%dma_start3A_97, %dma_start3A_98] : memref<10000x16xf32, #tpu.memory_space<vmem_shared>> -> memref<10000x16xf32, #tpu.memory_space<vmem_shared>>
      tpu.enqueue_indirect_dma source(%arg13 : memref<80x16xf32, #tpu.memory_space<vmem>>) target(%dma_start3A_99 : memref<10000x16xf32, #tpu.memory_space<vmem_shared>>) offsets(%dma_start3A_96 : memref<80xi32, #tpu.memory_space<vmem>>) semaphore(%arg19 : memref<!tpu.dma_semaphore, #tpu.memory_space<semaphore_mem>>) {add = true}
      %scan3A_100 = arith.constant 0 : i32
      %scan3A_101 = arith.constant 0 : i32
      %scan3A_102 = arith.constant 8 : i32
      %scan3A_103 = arith.addi %scan3A_101, %scan3A_102 : i32
      %scan3A_104 = arith.constant 1 : i32
      scf.for %scan3A_106 = %scan3A_101 to %scan3A_103 step %scan3A_104  : i32 {
        %mul3A_107 = arith.constant 3 : i32
        %mul3A_108 = arith.muli %mul3A_107, %scan3A_106 : i32
        %add3A_109 = arith.constant 1 : i32
        %add3A_110 = arith.addi %mul3A_108, %add3A_109 : i32
        %dma_wait3A_111 = arith.constant 0 : i32
        %dma_wait3A_112 = tpu.memref_slice %arg8[%dma_wait3A_111] : memref<2000xi32, #tpu.memory_space<vmem>> -> memref<80xi32, #tpu.memory_space<vmem>>
        %dma_wait3A_113 = arith.constant 0 : i32
        %dma_wait3A_114 = arith.constant 0 : i32
        %dma_wait3A_115 = tpu.memref_slice %arg2[%dma_wait3A_113, %dma_wait3A_114] : memref<10000x128xf32, #tpu.memory_space<hbm>> -> memref<10000x128xf32, #tpu.memory_space<hbm>>
        tpu.wait_indirect_dma semaphore(%arg16 : memref<!tpu.dma_semaphore, #tpu.memory_space<semaphore_mem>>) src(%dma_wait3A_115 : memref<10000x128xf32, #tpu.memory_space<hbm>>) dst(%arg10 : memref<80x128xf32, #tpu.memory_space<vmem>>)
        %dma_wait3A_116 = arith.constant 0 : i32
        %dma_wait3A_117 = tpu.memref_slice %arg9[%dma_wait3A_116] : memref<2000xi32, #tpu.memory_space<vmem>> -> memref<80xi32, #tpu.memory_space<vmem>>
        %dma_wait3A_118 = arith.constant 0 : i32
        %dma_wait3A_119 = arith.constant 0 : i32
        %dma_wait3A_120 = tpu.memref_slice %arg6[%dma_wait3A_118, %dma_wait3A_119] : memref<10000x128xf32, #tpu.memory_space<vmem_shared>> -> memref<10000x128xf32, #tpu.memory_space<vmem_shared>>
        tpu.wait_indirect_dma semaphore(%arg18 : memref<!tpu.dma_semaphore, #tpu.memory_space<semaphore_mem>>) src(%arg10 : memref<80x128xf32, #tpu.memory_space<vmem>>) dst(%dma_wait3A_120 : memref<10000x128xf32, #tpu.memory_space<vmem_shared>>)
        %add3A_121 = arith.constant 2 : i32
        %add3A_122 = arith.addi %add3A_110, %add3A_121 : i32
        %le3A = arith.constant 24 : i32
        %le3A_123 = arith.cmpi sle, %add3A_122, %le3A : i32
        %convert_element_type3A_124 = arith.extui %le3A_123 : i1 to i32
        %cond3A_125 = arith.constant 0 : i32
        %cond3A_126 = arith.cmpi ne, %convert_element_type3A_124, %cond3A_125 : i32
        scf.if %cond3A_126 {
          %add3A_205 = arith.constant 2 : i32
          %add3A_206 = arith.addi %add3A_110, %add3A_205 : i32
          %mul3A_207 = arith.constant 80 : i32
          %mul3A_208 = arith.muli %add3A_206, %mul3A_207 : i32
          %dma_start3A_209 = tpu.memref_slice %arg8[%mul3A_208] : memref<2000xi32, #tpu.memory_space<vmem>> -> memref<80xi32, #tpu.memory_space<vmem>>
          %dma_start3A_210 = arith.constant 0 : i32
          %dma_start3A_211 = arith.constant 0 : i32
          %dma_start3A_212 = tpu.memref_slice %arg2[%dma_start3A_210, %dma_start3A_211] : memref<10000x128xf32, #tpu.memory_space<hbm>> -> memref<10000x128xf32, #tpu.memory_space<hbm>>
          tpu.enqueue_indirect_dma source(%dma_start3A_212 : memref<10000x128xf32, #tpu.memory_space<hbm>>) target(%arg10 : memref<80x128xf32, #tpu.memory_space<vmem>>) offsets(%dma_start3A_209 : memref<80xi32, #tpu.memory_space<vmem>>) semaphore(%arg15 : memref<!tpu.dma_semaphore, #tpu.memory_space<semaphore_mem>>)
        } else {
        }
        %mul3A_127 = arith.constant 80 : i32
        %mul3A_128 = arith.muli %add3A_110, %mul3A_127 : i32
        %dma_start3A_129 = tpu.memref_slice %arg9[%mul3A_128] : memref<2000xi32, #tpu.memory_space<vmem>> -> memref<80xi32, #tpu.memory_space<vmem>>
        %dma_start3A_130 = arith.constant 0 : i32
        %dma_start3A_131 = arith.constant 0 : i32
        %dma_start3A_132 = tpu.memref_slice %arg6[%dma_start3A_130, %dma_start3A_131] : memref<10000x128xf32, #tpu.memory_space<vmem_shared>> -> memref<10000x128xf32, #tpu.memory_space<vmem_shared>>
        tpu.enqueue_indirect_dma source(%arg11 : memref<80x128xf32, #tpu.memory_space<vmem>>) target(%dma_start3A_132 : memref<10000x128xf32, #tpu.memory_space<vmem_shared>>) offsets(%dma_start3A_129 : memref<80xi32, #tpu.memory_space<vmem>>) semaphore(%arg18 : memref<!tpu.dma_semaphore, #tpu.memory_space<semaphore_mem>>) {add = true}
        %mul3A_133 = arith.constant 80 : i32
        %mul3A_134 = arith.muli %add3A_110, %mul3A_133 : i32
        %dma_start3A_135 = tpu.memref_slice %arg9[%mul3A_134] : memref<2000xi32, #tpu.memory_space<vmem>> -> memref<80xi32, #tpu.memory_space<vmem>>
        %dma_start3A_136 = arith.constant 0 : i32
        %dma_start3A_137 = arith.constant 0 : i32
        %dma_start3A_138 = tpu.memref_slice %arg7[%dma_start3A_136, %dma_start3A_137] : memref<10000x16xf32, #tpu.memory_space<vmem_shared>> -> memref<10000x16xf32, #tpu.memory_space<vmem_shared>>
        tpu.enqueue_indirect_dma source(%arg13 : memref<80x16xf32, #tpu.memory_space<vmem>>) target(%dma_start3A_138 : memref<10000x16xf32, #tpu.memory_space<vmem_shared>>) offsets(%dma_start3A_135 : memref<80xi32, #tpu.memory_space<vmem>>) semaphore(%arg19 : memref<!tpu.dma_semaphore, #tpu.memory_space<semaphore_mem>>) {add = true}
        %mul3A_139 = arith.constant 3 : i32
        %mul3A_140 = arith.muli %mul3A_139, %scan3A_106 : i32
        %add3A_141 = arith.constant 2 : i32
        %add3A_142 = arith.addi %mul3A_140, %add3A_141 : i32
        %dma_wait3A_143 = arith.constant 0 : i32
        %dma_wait3A_144 = tpu.memref_slice %arg8[%dma_wait3A_143] : memref<2000xi32, #tpu.memory_space<vmem>> -> memref<80xi32, #tpu.memory_space<vmem>>
        %dma_wait3A_145 = arith.constant 0 : i32
        %dma_wait3A_146 = arith.constant 0 : i32
        %dma_wait3A_147 = tpu.memref_slice %arg2[%dma_wait3A_145, %dma_wait3A_146] : memref<10000x128xf32, #tpu.memory_space<hbm>> -> memref<10000x128xf32, #tpu.memory_space<hbm>>
        tpu.wait_indirect_dma semaphore(%arg17 : memref<!tpu.dma_semaphore, #tpu.memory_space<semaphore_mem>>) src(%dma_wait3A_147 : memref<10000x128xf32, #tpu.memory_space<hbm>>) dst(%arg10 : memref<80x128xf32, #tpu.memory_space<vmem>>)
        %dma_wait3A_148 = arith.constant 0 : i32
        %dma_wait3A_149 = tpu.memref_slice %arg9[%dma_wait3A_148] : memref<2000xi32, #tpu.memory_space<vmem>> -> memref<80xi32, #tpu.memory_space<vmem>>
        %dma_wait3A_150 = arith.constant 0 : i32
        %dma_wait3A_151 = arith.constant 0 : i32
        %dma_wait3A_152 = tpu.memref_slice %arg6[%dma_wait3A_150, %dma_wait3A_151] : memref<10000x128xf32, #tpu.memory_space<vmem_shared>> -> memref<10000x128xf32, #tpu.memory_space<vmem_shared>>
        tpu.wait_indirect_dma semaphore(%arg18 : memref<!tpu.dma_semaphore, #tpu.memory_space<semaphore_mem>>) src(%arg10 : memref<80x128xf32, #tpu.memory_space<vmem>>) dst(%dma_wait3A_152 : memref<10000x128xf32, #tpu.memory_space<vmem_shared>>)
        %add3A_153 = arith.constant 2 : i32
        %add3A_154 = arith.addi %add3A_142, %add3A_153 : i32
        %le3A_155 = arith.constant 24 : i32
        %le3A_156 = arith.cmpi sle, %add3A_154, %le3A_155 : i32
        %convert_element_type3A_157 = arith.extui %le3A_156 : i1 to i32
        %cond3A_158 = arith.constant 0 : i32
        %cond3A_159 = arith.cmpi ne, %convert_element_type3A_157, %cond3A_158 : i32
        scf.if %cond3A_159 {
          %add3A_205 = arith.constant 2 : i32
          %add3A_206 = arith.addi %add3A_142, %add3A_205 : i32
          %mul3A_207 = arith.constant 80 : i32
          %mul3A_208 = arith.muli %add3A_206, %mul3A_207 : i32
          %dma_start3A_209 = tpu.memref_slice %arg8[%mul3A_208] : memref<2000xi32, #tpu.memory_space<vmem>> -> memref<80xi32, #tpu.memory_space<vmem>>
          %dma_start3A_210 = arith.constant 0 : i32
          %dma_start3A_211 = arith.constant 0 : i32
          %dma_start3A_212 = tpu.memref_slice %arg2[%dma_start3A_210, %dma_start3A_211] : memref<10000x128xf32, #tpu.memory_space<hbm>> -> memref<10000x128xf32, #tpu.memory_space<hbm>>
          tpu.enqueue_indirect_dma source(%dma_start3A_212 : memref<10000x128xf32, #tpu.memory_space<hbm>>) target(%arg11 : memref<80x128xf32, #tpu.memory_space<vmem>>) offsets(%dma_start3A_209 : memref<80xi32, #tpu.memory_space<vmem>>) semaphore(%arg16 : memref<!tpu.dma_semaphore, #tpu.memory_space<semaphore_mem>>)
        } else {
        }
        %mul3A_160 = arith.constant 80 : i32
        %mul3A_161 = arith.muli %add3A_142, %mul3A_160 : i32
        %dma_start3A_162 = tpu.memref_slice %arg9[%mul3A_161] : memref<2000xi32, #tpu.memory_space<vmem>> -> memref<80xi32, #tpu.memory_space<vmem>>
        %dma_start3A_163 = arith.constant 0 : i32
        %dma_start3A_164 = arith.constant 0 : i32
        %dma_start3A_165 = tpu.memref_slice %arg6[%dma_start3A_163, %dma_start3A_164] : memref<10000x128xf32, #tpu.memory_space<vmem_shared>> -> memref<10000x128xf32, #tpu.memory_space<vmem_shared>>
        tpu.enqueue_indirect_dma source(%arg12 : memref<80x128xf32, #tpu.memory_space<vmem>>) target(%dma_start3A_165 : memref<10000x128xf32, #tpu.memory_space<vmem_shared>>) offsets(%dma_start3A_162 : memref<80xi32, #tpu.memory_space<vmem>>) semaphore(%arg18 : memref<!tpu.dma_semaphore, #tpu.memory_space<semaphore_mem>>) {add = true}
        %mul3A_166 = arith.constant 80 : i32
        %mul3A_167 = arith.muli %add3A_142, %mul3A_166 : i32
        %dma_start3A_168 = tpu.memref_slice %arg9[%mul3A_167] : memref<2000xi32, #tpu.memory_space<vmem>> -> memref<80xi32, #tpu.memory_space<vmem>>
        %dma_start3A_169 = arith.constant 0 : i32
        %dma_start3A_170 = arith.constant 0 : i32
        %dma_start3A_171 = tpu.memref_slice %arg7[%dma_start3A_169, %dma_start3A_170] : memref<10000x16xf32, #tpu.memory_space<vmem_shared>> -> memref<10000x16xf32, #tpu.memory_space<vmem_shared>>
        tpu.enqueue_indirect_dma source(%arg13 : memref<80x16xf32, #tpu.memory_space<vmem>>) target(%dma_start3A_171 : memref<10000x16xf32, #tpu.memory_space<vmem_shared>>) offsets(%dma_start3A_168 : memref<80xi32, #tpu.memory_space<vmem>>) semaphore(%arg19 : memref<!tpu.dma_semaphore, #tpu.memory_space<semaphore_mem>>) {add = true}
        %mul3A_172 = arith.constant 3 : i32
        %mul3A_173 = arith.muli %mul3A_172, %scan3A_106 : i32
        %add3A_174 = arith.constant 3 : i32
        %add3A_175 = arith.addi %mul3A_173, %add3A_174 : i32
        %dma_wait3A_176 = arith.constant 0 : i32
        %dma_wait3A_177 = tpu.memref_slice %arg8[%dma_wait3A_176] : memref<2000xi32, #tpu.memory_space<vmem>> -> memref<80xi32, #tpu.memory_space<vmem>>
        %dma_wait3A_178 = arith.constant 0 : i32
        %dma_wait3A_179 = arith.constant 0 : i32
        %dma_wait3A_180 = tpu.memref_slice %arg2[%dma_wait3A_178, %dma_wait3A_179] : memref<10000x128xf32, #tpu.memory_space<hbm>> -> memref<10000x128xf32, #tpu.memory_space<hbm>>
        tpu.wait_indirect_dma semaphore(%arg15 : memref<!tpu.dma_semaphore, #tpu.memory_space<semaphore_mem>>) src(%dma_wait3A_180 : memref<10000x128xf32, #tpu.memory_space<hbm>>) dst(%arg10 : memref<80x128xf32, #tpu.memory_space<vmem>>)
        %dma_wait3A_181 = arith.constant 0 : i32
        %dma_wait3A_182 = tpu.memref_slice %arg9[%dma_wait3A_181] : memref<2000xi32, #tpu.memory_space<vmem>> -> memref<80xi32, #tpu.memory_space<vmem>>
        %dma_wait3A_183 = arith.constant 0 : i32
        %dma_wait3A_184 = arith.constant 0 : i32
        %dma_wait3A_185 = tpu.memref_slice %arg6[%dma_wait3A_183, %dma_wait3A_184] : memref<10000x128xf32, #tpu.memory_space<vmem_shared>> -> memref<10000x128xf32, #tpu.memory_space<vmem_shared>>
        tpu.wait_indirect_dma semaphore(%arg18 : memref<!tpu.dma_semaphore, #tpu.memory_space<semaphore_mem>>) src(%arg10 : memref<80x128xf32, #tpu.memory_space<vmem>>) dst(%dma_wait3A_185 : memref<10000x128xf32, #tpu.memory_space<vmem_shared>>)
        %add3A_186 = arith.constant 2 : i32
        %add3A_187 = arith.addi %add3A_175, %add3A_186 : i32
        %le3A_188 = arith.constant 24 : i32
        %le3A_189 = arith.cmpi sle, %add3A_187, %le3A_188 : i32
        %convert_element_type3A_190 = arith.extui %le3A_189 : i1 to i32
        %cond3A_191 = arith.constant 0 : i32
        %cond3A_192 = arith.cmpi ne, %convert_element_type3A_190, %cond3A_191 : i32
        scf.if %cond3A_192 {
          %add3A_205 = arith.constant 2 : i32
          %add3A_206 = arith.addi %add3A_175, %add3A_205 : i32
          %mul3A_207 = arith.constant 80 : i32
          %mul3A_208 = arith.muli %add3A_206, %mul3A_207 : i32
          %dma_start3A_209 = tpu.memref_slice %arg8[%mul3A_208] : memref<2000xi32, #tpu.memory_space<vmem>> -> memref<80xi32, #tpu.memory_space<vmem>>
          %dma_start3A_210 = arith.constant 0 : i32
          %dma_start3A_211 = arith.constant 0 : i32
          %dma_start3A_212 = tpu.memref_slice %arg2[%dma_start3A_210, %dma_start3A_211] : memref<10000x128xf32, #tpu.memory_space<hbm>> -> memref<10000x128xf32, #tpu.memory_space<hbm>>
          tpu.enqueue_indirect_dma source(%dma_start3A_212 : memref<10000x128xf32, #tpu.memory_space<hbm>>) target(%arg12 : memref<80x128xf32, #tpu.memory_space<vmem>>) offsets(%dma_start3A_209 : memref<80xi32, #tpu.memory_space<vmem>>) semaphore(%arg17 : memref<!tpu.dma_semaphore, #tpu.memory_space<semaphore_mem>>)
        } else {
        }
        %mul3A_193 = arith.constant 80 : i32
        %mul3A_194 = arith.muli %add3A_175, %mul3A_193 : i32
        %dma_start3A_195 = tpu.memref_slice %arg9[%mul3A_194] : memref<2000xi32, #tpu.memory_space<vmem>> -> memref<80xi32, #tpu.memory_space<vmem>>
        %dma_start3A_196 = arith.constant 0 : i32
        %dma_start3A_197 = arith.constant 0 : i32
        %dma_start3A_198 = tpu.memref_slice %arg6[%dma_start3A_196, %dma_start3A_197] : memref<10000x128xf32, #tpu.memory_space<vmem_shared>> -> memref<10000x128xf32, #tpu.memory_space<vmem_shared>>
        tpu.enqueue_indirect_dma source(%arg10 : memref<80x128xf32, #tpu.memory_space<vmem>>) target(%dma_start3A_198 : memref<10000x128xf32, #tpu.memory_space<vmem_shared>>) offsets(%dma_start3A_195 : memref<80xi32, #tpu.memory_space<vmem>>) semaphore(%arg18 : memref<!tpu.dma_semaphore, #tpu.memory_space<semaphore_mem>>) {add = true}
        %mul3A_199 = arith.constant 80 : i32
        %mul3A_200 = arith.muli %add3A_175, %mul3A_199 : i32
        %dma_start3A_201 = tpu.memref_slice %arg9[%mul3A_200] : memref<2000xi32, #tpu.memory_space<vmem>> -> memref<80xi32, #tpu.memory_space<vmem>>
        %dma_start3A_202 = arith.constant 0 : i32
        %dma_start3A_203 = arith.constant 0 : i32
        %dma_start3A_204 = tpu.memref_slice %arg7[%dma_start3A_202, %dma_start3A_203] : memref<10000x16xf32, #tpu.memory_space<vmem_shared>> -> memref<10000x16xf32, #tpu.memory_space<vmem_shared>>
        tpu.enqueue_indirect_dma source(%arg13 : memref<80x16xf32, #tpu.memory_space<vmem>>) target(%dma_start3A_204 : memref<10000x16xf32, #tpu.memory_space<vmem_shared>>) offsets(%dma_start3A_201 : memref<80xi32, #tpu.memory_space<vmem>>) semaphore(%arg19 : memref<!tpu.dma_semaphore, #tpu.memory_space<semaphore_mem>>) {add = true}
      }
      %scan3A_105 = arith.constant 8 : i32
    }
    %scan3A_50 = arith.constant 5 : i32
    %dma_wait3A = arith.constant 0 : i32
    %dma_wait3A_51 = tpu.memref_slice %arg9[%dma_wait3A] : memref<2000xi32, #tpu.memory_space<vmem>> -> memref<80xi32, #tpu.memory_space<vmem>>
    %dma_wait3A_52 = arith.constant 0 : i32
    %dma_wait3A_53 = arith.constant 0 : i32
    %dma_wait3A_54 = tpu.memref_slice %arg6[%dma_wait3A_52, %dma_wait3A_53] : memref<10000x128xf32, #tpu.memory_space<vmem_shared>> -> memref<10000x128xf32, #tpu.memory_space<vmem_shared>>
    tpu.wait_indirect_dma semaphore(%arg18 : memref<!tpu.dma_semaphore, #tpu.memory_space<semaphore_mem>>) src(%arg10 : memref<80x128xf32, #tpu.memory_space<vmem>>) dst(%dma_wait3A_54 : memref<10000x128xf32, #tpu.memory_space<vmem_shared>>)
    %scan3A_55 = arith.constant 0 : i32
    %scan3A_56 = arith.constant 0 : i32
    %scan3A_57 = arith.constant 25 : i32
    %scan3A_58 = arith.addi %scan3A_56, %scan3A_57 : i32
    %scan3A_59 = arith.constant 1 : i32
    scf.for %scan3A_62 = %scan3A_56 to %scan3A_58 step %scan3A_59  : i32 {
      %dma_wait3A_63 = arith.constant 0 : i32
      %dma_wait3A_64 = tpu.memref_slice %arg9[%dma_wait3A_63] : memref<2000xi32, #tpu.memory_space<vmem>> -> memref<80xi32, #tpu.memory_space<vmem>>
      %dma_wait3A_65 = arith.constant 0 : i32
      %dma_wait3A_66 = arith.constant 0 : i32
      %dma_wait3A_67 = tpu.memref_slice %arg7[%dma_wait3A_65, %dma_wait3A_66] : memref<10000x16xf32, #tpu.memory_space<vmem_shared>> -> memref<10000x16xf32, #tpu.memory_space<vmem_shared>>
      tpu.wait_indirect_dma semaphore(%arg19 : memref<!tpu.dma_semaphore, #tpu.memory_space<semaphore_mem>>) src(%arg13 : memref<80x16xf32, #tpu.memory_space<vmem>>) dst(%dma_wait3A_67 : memref<10000x16xf32, #tpu.memory_space<vmem_shared>>)
    }
    %scan3A_60 = arith.constant 25 : i32
    %barrier3A_61 = arith.constant 0 : index
    tpu.barrier barrier_id(%barrier3A_61)
    "tpu.region"() ({
      %run_scoped3A = tpu.sem_alloc : memref<!tpu.dma_semaphore, #tpu.memory_space<semaphore_mem>>
      %dma_start3A = arith.constant 0 : i32
      %dma_start3A_62 = tpu.memref_slice %arg4[%arg0, %mul3A_10, %dma_start3A] : memref<2x10000x128xf32, #tpu.memory_space<hbm>> -> memref<1x625x128xf32, #tpu.memory_space<hbm>>
      %dma_start3A_63 = tpu.memref_squeeze %dma_start3A_62 : memref<1x625x128xf32, #tpu.memory_space<hbm>> -> memref<625x128xf32, #tpu.memory_space<hbm>>
      %dma_start3A_64 = arith.constant 0 : i32
      %dma_start3A_65 = tpu.memref_slice %arg6[%mul3A_10, %dma_start3A_64] : memref<10000x128xf32, #tpu.memory_space<vmem_shared>> -> memref<625x128xf32, #tpu.memory_space<vmem_shared>>
      tpu.enqueue_dma source(%dma_start3A_65 : memref<625x128xf32, #tpu.memory_space<vmem_shared>>) target(%dma_start3A_63 : memref<625x128xf32, #tpu.memory_space<hbm>>) target_semaphore(%run_scoped3A : memref<!tpu.dma_semaphore, #tpu.memory_space<semaphore_mem>>)
      %dma_wait3A_66 = arith.constant 0 : i32
      %dma_wait3A_67 = tpu.memref_slice %arg4[%arg0, %mul3A_10, %dma_wait3A_66] : memref<2x10000x128xf32, #tpu.memory_space<hbm>> -> memref<1x625x128xf32, #tpu.memory_space<hbm>>
      %dma_wait3A_68 = tpu.memref_squeeze %dma_wait3A_67 : memref<1x625x128xf32, #tpu.memory_space<hbm>> -> memref<625x128xf32, #tpu.memory_space<hbm>>
      %dma_wait3A_69 = arith.constant 0 : i32
      %dma_wait3A_70 = tpu.memref_slice %arg6[%mul3A_10, %dma_wait3A_69] : memref<10000x128xf32, #tpu.memory_space<vmem_shared>> -> memref<625x128xf32, #tpu.memory_space<vmem_shared>>
      tpu.wait_dma2 semaphore(%run_scoped3A : memref<!tpu.dma_semaphore, #tpu.memory_space<semaphore_mem>>) src(%dma_wait3A_70 : memref<625x128xf32, #tpu.memory_space<vmem_shared>>) dst(%dma_wait3A_68 : memref<625x128xf32, #tpu.memory_space<hbm>>)
      tpu.yield
    }) : () -> ()
    "tpu.region"() ({
      %run_scoped3A = tpu.sem_alloc : memref<!tpu.dma_semaphore, #tpu.memory_space<semaphore_mem>>
      %dma_start3A = arith.constant 0 : i32
      %dma_start3A_62 = tpu.memref_slice %arg5[%arg0, %mul3A_10, %dma_start3A] : memref<2x10000x16xf32, #tpu.memory_space<hbm>> -> memref<1x625x16xf32, #tpu.memory_space<hbm>>
      %dma_start3A_63 = tpu.memref_squeeze %dma_start3A_62 : memref<1x625x16xf32, #tpu.memory_space<hbm>> -> memref<625x16xf32, #tpu.memory_space<hbm>>
      %dma_start3A_64 = arith.constant 0 : i32
      %dma_start3A_65 = tpu.memref_slice %arg7[%mul3A_10, %dma_start3A_64] : memref<10000x16xf32, #tpu.memory_space<vmem_shared>> -> memref<625x16xf32, #tpu.memory_space<vmem_shared>>
      tpu.enqueue_dma source(%dma_start3A_65 : memref<625x16xf32, #tpu.memory_space<vmem_shared>>) target(%dma_start3A_63 : memref<625x16xf32, #tpu.memory_space<hbm>>) target_semaphore(%run_scoped3A : memref<!tpu.dma_semaphore, #tpu.memory_space<semaphore_mem>>)
      %dma_wait3A_66 = arith.constant 0 : i32
      %dma_wait3A_67 = tpu.memref_slice %arg5[%arg0, %mul3A_10, %dma_wait3A_66] : memref<2x10000x16xf32, #tpu.memory_space<hbm>> -> memref<1x625x16xf32, #tpu.memory_space<hbm>>
      %dma_wait3A_68 = tpu.memref_squeeze %dma_wait3A_67 : memref<1x625x16xf32, #tpu.memory_space<hbm>> -> memref<625x16xf32, #tpu.memory_space<hbm>>
      %dma_wait3A_69 = arith.constant 0 : i32
      %dma_wait3A_70 = tpu.memref_slice %arg7[%mul3A_10, %dma_wait3A_69] : memref<10000x16xf32, #tpu.memory_space<vmem_shared>> -> memref<625x16xf32, #tpu.memory_space<vmem_shared>>
      tpu.wait_dma2 semaphore(%run_scoped3A : memref<!tpu.dma_semaphore, #tpu.memory_space<semaphore_mem>>) src(%dma_wait3A_70 : memref<625x16xf32, #tpu.memory_space<vmem_shared>>) dst(%dma_wait3A_68 : memref<625x16xf32, #tpu.memory_space<hbm>>)
      tpu.yield
    }) : () -> ()
    return
  }
}

module attributes {stable_mosaic.version = 14 : i64} {
  func.func @_tc_body(%arg0: i32, %arg1: memref<2x2000x128xf32, #tpu.memory_space<vmem>>, %arg2: memref<2x2000x16xf32, #tpu.memory_space<vmem>>, %arg3: memref<2000x128xf32, #tpu.memory_space<vmem>>, %arg4: memref<128x128xf32, #tpu.memory_space<vmem>>, %arg5: memref<128x128xf32, #tpu.memory_space<vmem>>, %arg6: memref<1x128xf32, #tpu.memory_space<vmem>>, %arg7: memref<2000x128xf32, #tpu.memory_space<vmem>>) attributes {dimension_semantics = [#tpu.dimension_semantics<arbitrary>], iteration_bounds = array<i64: 5>, scalar_prefetch = 0 : i64, scratch_operands = 0 : i64, tpu.core_type = #tpu.core_type<tc>, window_params = [{transform_indices = @transform_0, window_bounds = array<i64: 2, 2000, 128>}, {transform_indices = @transform_1, window_bounds = array<i64: 2, 2000, 16>}, {transform_indices = @transform_2, window_bounds = array<i64: 2000, 128>}, {pipeline_mode = #tpu.pipeline_mode<synchronous>, transform_indices = @transform_3, window_bounds = array<i64: 128, 128>}, {pipeline_mode = #tpu.pipeline_mode<synchronous>, transform_indices = @transform_4, window_bounds = array<i64: 128, 128>}, {pipeline_mode = #tpu.pipeline_mode<synchronous>, transform_indices = @transform_5, window_bounds = array<i64: 1, 128>}, {transform_indices = @transform_6, window_bounds = array<i64: 2000, 128>}]} {
    %get3A = arith.constant 0 : index
    %get3A_0 = arith.constant 0 : index
    %get3A_1 = arith.constant 0 : index
    %get3A_2 = vector.load %arg1[%get3A, %get3A_0, %get3A_1] : memref<2x2000x128xf32, #tpu.memory_space<vmem>>, vector<1x2000x128xf32>
    %get3A_3 = vector.shape_cast %get3A_2 : vector<1x2000x128xf32> to vector<2000x128xf32>
    %get3A_4 = arith.constant 1 : index
    %get3A_5 = arith.constant 0 : index
    %get3A_6 = arith.constant 0 : index
    %get3A_7 = vector.load %arg1[%get3A_4, %get3A_5, %get3A_6] : memref<2x2000x128xf32, #tpu.memory_space<vmem>>, vector<1x2000x128xf32>
    %get3A_8 = vector.shape_cast %get3A_7 : vector<1x2000x128xf32> to vector<2000x128xf32>
    %add3A = arith.addf %get3A_3, %get3A_8 : vector<2000x128xf32>
    %get3A_9 = arith.constant 0 : index
    %get3A_10 = arith.constant 0 : index
    %get3A_11 = arith.constant 0 : index
    %get3A_12 = vector.load %arg2[%get3A_9, %get3A_10, %get3A_11] : memref<2x2000x16xf32, #tpu.memory_space<vmem>>, vector<1x2000x1xf32>
    %get3A_13 = vector.shape_cast %get3A_12 : vector<1x2000x1xf32> to vector<2000x1xf32>
    %get3A_14 = arith.constant 1 : index
    %get3A_15 = arith.constant 0 : index
    %get3A_16 = arith.constant 0 : index
    %get3A_17 = vector.load %arg2[%get3A_14, %get3A_15, %get3A_16] : memref<2x2000x16xf32, #tpu.memory_space<vmem>>, vector<1x2000x1xf32>
    %get3A_18 = vector.shape_cast %get3A_17 : vector<1x2000x1xf32> to vector<2000x1xf32>
    %add3A_19 = arith.addf %get3A_13, %get3A_18 : vector<2000x1xf32>
    %max3A = arith.constant 1.000000e+00 : f32
    %max3A_20 = vector.broadcast %max3A : f32 to vector<2000x1xf32>
    %max3A_21 = arith.maximumf %add3A_19, %max3A_20 : vector<2000x1xf32>
    %div3A = vector.broadcast %max3A_21 : vector<2000x1xf32> to vector<2000x128xf32>
    %div3A_22 = arith.divf %add3A, %div3A : vector<2000x128xf32>
    %get3A_23 = arith.constant 0 : index
    %get3A_24 = arith.constant 0 : index
    %get3A_25 = vector.load %arg4[%get3A_23, %get3A_24] : memref<128x128xf32, #tpu.memory_space<vmem>>, vector<128x128xf32>
    %dot_general3A = arith.constant dense<0.000000e+00> : vector<2000x128xf32>
    %dot_general3A_26 = tpu.matmul %div3A_22, %get3A_25, %dot_general3A {dimension_numbers = #tpu.dot_dimension_numbers<[1], [0], [0], [1], [0, 0, 1, 1], [], []>, transpose_lhs_hint = false} : vector<2000x128xf32>, vector<128x128xf32>, vector<2000x128xf32> -> vector<2000x128xf32>
    %get3A_27 = arith.constant 0 : index
    %get3A_28 = arith.constant 0 : index
    %get3A_29 = vector.load %arg3[%get3A_27, %get3A_28] : memref<2000x128xf32, #tpu.memory_space<vmem>>, vector<2000x128xf32>
    %get3A_30 = arith.constant 0 : index
    %get3A_31 = arith.constant 0 : index
    %get3A_32 = vector.load %arg5[%get3A_30, %get3A_31] : memref<128x128xf32, #tpu.memory_space<vmem>>, vector<128x128xf32>
    %dot_general3A_33 = arith.constant dense<0.000000e+00> : vector<2000x128xf32>
    %dot_general3A_34 = tpu.matmul %get3A_29, %get3A_32, %dot_general3A_33 {dimension_numbers = #tpu.dot_dimension_numbers<[1], [0], [0], [1], [0, 0, 1, 1], [], []>, transpose_lhs_hint = false} : vector<2000x128xf32>, vector<128x128xf32>, vector<2000x128xf32> -> vector<2000x128xf32>
    %add3A_35 = arith.addf %dot_general3A_26, %dot_general3A_34 : vector<2000x128xf32>
    %get3A_36 = arith.constant 0 : index
    %get3A_37 = arith.constant 0 : index
    %get3A_38 = vector.load %arg6[%get3A_36, %get3A_37] : memref<1x128xf32, #tpu.memory_space<vmem>>, vector<1x128xf32>
    %add3A_39 = vector.broadcast %get3A_38 : vector<1x128xf32> to vector<2000x128xf32>
    %add3A_40 = arith.addf %add3A_35, %add3A_39 : vector<2000x128xf32>
    %swap3A = arith.constant 0 : index
    %swap3A_41 = arith.constant 0 : index
    %swap3A_42 = vector.load %arg7[%swap3A, %swap3A_41] : memref<2000x128xf32, #tpu.memory_space<vmem>>, vector<2000x128xf32>
    tpu.vector_store %arg7[%swap3A, %swap3A_41], %add3A_40 {strides = array<i32>} : memref<2000x128xf32, #tpu.memory_space<vmem>>, vector<2000x128xf32>,
    return
  }
  func.func @transform_0(%arg0: i32) -> (i32, i32, i32) {
    %c0_i32 = arith.constant 0 : i32
    %c0_i32_0 = arith.constant 0 : i32
    %c0_i32_1 = arith.constant 0 : i32
    return %c0_i32, %arg0, %c0_i32_0 : i32, i32, i32
  }
  func.func @transform_1(%arg0: i32) -> (i32, i32, i32) {
    %c0_i32 = arith.constant 0 : i32
    %c0_i32_0 = arith.constant 0 : i32
    %c0_i32_1 = arith.constant 0 : i32
    return %c0_i32, %arg0, %c0_i32_0 : i32, i32, i32
  }
  func.func @transform_2(%arg0: i32) -> (i32, i32) {
    %c0_i32 = arith.constant 0 : i32
    %c0_i32_0 = arith.constant 0 : i32
    return %arg0, %c0_i32 : i32, i32
  }
  func.func @transform_3(%arg0: i32) -> (i32, i32) {
    %c0_i32 = arith.constant 0 : i32
    %c0_i32_0 = arith.constant 0 : i32
    %c0_i32_1 = arith.constant 0 : i32
    return %c0_i32, %c0_i32_0 : i32, i32
  }
  func.func @transform_4(%arg0: i32) -> (i32, i32) {
    %c0_i32 = arith.constant 0 : i32
    %c0_i32_0 = arith.constant 0 : i32
    %c0_i32_1 = arith.constant 0 : i32
    return %c0_i32, %c0_i32_0 : i32, i32
  }
  func.func @transform_5(%arg0: i32) -> (i32, i32) {
    %c0_i32 = arith.constant 0 : i32
    %c0_i32_0 = arith.constant 0 : i32
    %c0_i32_1 = arith.constant 0 : i32
    return %c0_i32, %c0_i32_0 : i32, i32
  }
  func.func @transform_6(%arg0: i32) -> (i32, i32) {
    %c0_i32 = arith.constant 0 : i32
    %c0_i32_0 = arith.constant 0 : i32
    return %arg0, %c0_i32 : i32, i32
  }
}

</mosaic_0001>

<sc_bundles>
// kernel: kernel.4.cloned.1.call-start
scs
__scs_entry_jumppad:
0x0: {  	(pc) =	sbr.rel $0x88, $3  }
0x1: {  	(tag) =	ssettag $0x0;
	lr =	simm.s32 $0x1  }
0x2: {  	[smem:$0x3F9C] =	sst lr;
	_ =	strace $0xD0000000  }
0x3: {  	_ = 	snop  }
0x4: {  	_ = 	snop  }
0x5: {  	_ = 	snop  }
0x6: {  	_ = 	snop  }
0x7: {  	_ = 	snop  }
__scs_overlays_trampoline_lowered:
0x8: {  	[smem:$0x3FAB] =	sst s0  }
0x9: {  	[smem:$0x3FAC] =	sst s1  }
0xa: {  	[smem:$0x3FAD] =	sst s2  }
0xb: {  	[smem:$0x3FAE] =	sst s3  }
0xc: {  	[smem:$0x3FAF] =	sst s4  }
0xd: {  	[smem:$0x3FB0] =	sst s5  }
0xe: {  	[smem:$0x3FB1] =	sst s6  }
0xf: {  	[smem:$0x3FB2] =	sst s7  }
0x10: {  	[smem:$0x3FB3] =	sst s8  }
0x11: {  	[smem:$0x3FB4] =	sst s9;
	s0 =	simm.s32 @!p0 $0x0  }
0x12: {  	s1 =	sld [smem:$0x3F9A];
	s0 =	simm.s32 @p0 $0x1  }
0x13: {  	[smem:$0x3FB5] =	sst s0;
	s0 =	simm.s32 @!p1 $0x0  }
0x14: {  	s2 =	sld [smem:$0x3F99];
	s0 =	simm.s32 @p1 $0x1  }
0x15: {  	[smem:$0x3FB6] =	sst s0;
	s0 =	simm.s32 @!p2 $0x0  }
0x16: {  	s3 =	sld [smem:$0x3FDB];
	s0 =	simm.s32 @p2 $0x1  }
0x17: {  	s4 =	simm.s32 $0x1BF5;
	[smem:$0x3FB8] =	sst s0  }
0x18: {  	s0 =	sld [smem:$0x3F9B];
	_ =	swait.ge [sflag:s4], $0x0  }
0x19: {  	s7 =	sld [smem:$0x3F9C]  }
0x1a: {  	s8 =	sadd.s32 $0xFFFFE003, lr  }
0x1b: {  	s9 =	sadd.s32 $0xFFFFFEF7, lr;
	s5 =	simm.s32 $0xFFFFFFFF;
	p2 =	slt.u32 s8, $0xFFFFF086  }
0x1c: {  	p1 =	slt.u32 s9, $0xF7A;
	s5 =	simm.s32 @!p2 $0x0  }
0x1d: {  	s5 =	simm.s32 @p1 $0x1;
	p0 =	seq.s32 s7, s2  }
0x1e: {  	s7 =	smul.u32 @!p0 $0xF7A, s2;
	p2 =	seq.s32 @!p0 s5, $0x0  }
0x1f: {  	s9 =	smul.u32 $0xF7A, s1;
	s8 =	simm.s32 @!p0 $0x1BF5;
	p2 =	por !p2, p0  }
0x20: {  	[sflag:s8] =	ssyncset.s32 @!p0 $0xFFFFF086;
	s6 =	sadd.s32 @!p0 s3, s7;
	s7 =	simm.s32 @!p0 $0x108  }
0x21: {  	s3 =	sadd.s32 s3, s9;
	s6 =	sadd.s32 @!p0 $0x88, s6;
	s7 =	simm.s32 @p2 $0x1082  }
0x22: {  	[simem:s7], [sflag:s8] =	dma.local @!p0 [hbm:s6], $0xF7A  }
0x23: {  	s9 =	sor.u32 $0xD0000000, s2;
	s6 =	simm.s32 $0x108;
	_ =	swait.ge @!p0 [sflag:s8], $0x0  }
0x24: {  	s3 =	sadd.s32 $0x88, s3;
	s6 =	simm.s32 @!p1 $0x1082;
	[sflag:s4] =	ssyncset.s32 $0xFFFFF086  }
0x25: {  	[simem:s6], [sflag:s4] =	dma.local [hbm:s3], $0xF7A  }
0x26: {  	[smem:$0x3F9C] =	sst s1;
	(tag) =	ssettag s2;
	_ =	strace s9  }
0x27: {  	s1 =	sld [smem:$0x3FAC]  }
0x28: {  	s2 =	sld [smem:$0x3FAD]  }
0x29: {  	s4 =	sld [smem:$0x3FAF]  }
0x2a: {  	p0 =	seq.s32 s5, $0x0;
	s5 =	sld [smem:$0x3FB0]  }
0x2b: {  	s6 =	sld [smem:$0x3FB1]  }
0x2c: {  	s7 =	sld [smem:$0x3FB2]  }
0x2d: {  	s3 =	simm.s32 $0x108;
	s8 =	sld [smem:$0x3FB3]  }
0x2e: {  	s3 =	simm.s32 @!p0 $0x1082;
	s9 =	sld [smem:$0x3FB4]  }
0x2f: {  	lr =	sadd.s32 s0, s3;
	s0 =	sld [smem:$0x3FAB]  }
0x30: {  	s3 =	sld [smem:$0x3FAE]  }
0x31: {  	[smem:$0x3FB7] =	sst s10  }
0x32: {  	s10 =	sld [smem:$0x3FB5];
	_ =	sdelay $0x3  }
0x33: {  	p0 =	seq.s32 s10, $0x1;
	s10 =	sld [smem:$0x3FB7];
	_ =	sdelay $0x3  }
0x34: {  	[smem:$0x3FB7] =	sst s10  }
0x35: {  	s10 =	sld [smem:$0x3FB6];
	_ =	sdelay $0x3  }
0x36: {  	p1 =	seq.s32 s10, $0x1;
	s10 =	sld [smem:$0x3FB7];
	_ =	sdelay $0x3  }
0x37: {  	[smem:$0x3FB7] =	sst s10  }
0x38: {  	s10 =	sld [smem:$0x3FB8]  }
0x39: {  	_ = 	snop;
	(pc) =	sbr.ind lr, $3  }
0x3a: {  	_ = 	snop  }
0x3b: {  	_ = 	snop  }
0x3c: {  	p2 =	seq.s32 s10, $0x1;
	s10 =	sld [smem:$0x3FB7]  }
0x3d: {  	_ =	shalt  }
0x3e: {  	_ =	shalt  }
0x3f: {  	_ =	shalt  }
0x40: {  	_ =	shalt  }
0x41: {  	_ =	shalt  }
0x42: {  	_ =	shalt  }
0x43: {  	_ =	shalt  }
0x44: {  	_ =	shalt  }
0x45: {  	_ =	shalt  }
0x46: {  	_ =	shalt  }
0x47: {  	_ =	shalt  }
0x48: {  	_ =	shalt  }
0x49: {  	_ =	shalt  }
0x4a: {  	_ =	shalt  }
0x4b: {  	_ =	shalt  }
0x4c: {  	_ =	shalt  }
0x4d: {  	_ =	shalt  }
0x4e: {  	_ =	shalt  }
0x4f: {  	_ =	shalt  }
0x50: {  	_ =	shalt  }
0x51: {  	_ =	shalt  }
0x52: {  	_ =	shalt  }
0x53: {  	_ =	shalt  }
0x54: {  	_ =	shalt  }
0x55: {  	_ =	shalt  }
0x56: {  	_ =	shalt  }
0x57: {  	_ =	shalt  }
0x58: {  	_ =	shalt  }
0x59: {  	_ =	shalt  }
0x5a: {  	_ =	shalt  }
0x5b: {  	_ =	shalt  }
0x5c: {  	_ =	shalt  }
0x5d: {  	_ =	shalt  }
0x5e: {  	_ =	shalt  }
0x5f: {  	_ =	shalt  }
0x60: {  	_ =	shalt  }
0x61: {  	_ =	shalt  }
0x62: {  	_ =	shalt  }
0x63: {  	_ =	shalt  }
0x64: {  	_ =	shalt  }
0x65: {  	_ =	shalt  }
0x66: {  	_ =	shalt  }
0x67: {  	_ =	shalt  }
0x68: {  	_ =	shalt  }
0x69: {  	_ =	shalt  }
0x6a: {  	_ =	shalt  }
0x6b: {  	_ =	shalt  }
0x6c: {  	_ =	shalt  }
0x6d: {  	_ =	shalt  }
0x6e: {  	_ =	shalt  }
0x6f: {  	_ =	shalt  }
0x70: {  	_ =	shalt  }
0x71: {  	_ =	shalt  }
0x72: {  	_ =	shalt  }
0x73: {  	_ =	shalt  }
0x74: {  	_ =	shalt  }
0x75: {  	_ =	shalt  }
0x76: {  	_ =	shalt  }
0x77: {  	_ =	shalt  }
0x78: {  	_ =	shalt  }
0x79: {  	_ =	shalt  }
0x7a: {  	_ =	shalt  }
0x7b: {  	_ =	shalt  }
0x7c: {  	_ =	shalt  }
0x7d: {  	_ =	shalt  }
0x7e: {  	_ =	shalt  }
0x7f: {  	_ =	shalt  }
0x80: {  	_ =	shalt  }
0x81: {  	_ =	shalt  }
0x82: {  	_ =	shalt  }
0x83: {  	_ =	shalt  }
0x84: {  	_ =	shalt  }
0x85: {  	_ =	shalt  }
0x86: {  	_ =	shalt  }
0x87: {  	_ =	shalt  }
.Lfunc_end0:
.L_simem_size_0:
called_computation_lowered:
.L_overlay_start_0:
0x88: {  	s2 =	sld [smem:$0x3FD9]  }
0x89: {  	s3 =	sld [smem:$0x3FFE];
	_ =	sdelay $0x1  }
0x8a: {  	s1 =	srdreg.scid  }
0x8b: {  	s0 =	sand.u32 $0x1, s1  }
0x8c: {  	s17 =	sshll.u32 s0, $0xA;
	s2 =	sadd.s32 s3, s2  }
0x8d: {  	s2 =	sadd.s32 s2, s17  }
0x8e: {  	[smem:$0x3FC3] =	sst s2  }
0x8f: {  	_ = 	snop  }
0x90: {  	s2 =	sld [smem:$0x3FC9]  }
0x91: {  	s18 =	sld [smem:$0x3FD0];
	(tm) =	ssettm $0x1  }
0x92: {  	s4 =	sld [smem:$0x3FFB];
	_ =	sdelay $0x3  }
0x93: {  	_ =	strace s4  }
0x94: {  	s4 =	sld [smem:$0x3FFC];
	_ =	sdelay $0x3  }
0x95: {  	_ =	strace s4  }
0x96: {  	s4 =	sld [smem:$0x3FFD];
	_ =	sdelay $0x3  }
0x97: {  	_ =	strace s4  }
0x98: {  	_ =	strace $0x8FFFFFFF  }
0x99: {  	s19 =	sld [smem:$0x3FDB];
	_ =	sdelay $0x1  }
0x9a: {  	s5 =	simm.s32 $_scs_section_size  }
0x9b: {  	s6 =	simm.s32 $_size__tile_overlayer_lowered;
	s7 =	simm.s32 $_tile_overlayer_lowered  }
0x9c: {  	s22 =	simm.s32 $0x1BFF;
	s21 =	sshll.u32 s7, $0x1;
	s4 =	sadd.s32 s5, s19  }
0x9d: {  	s8 =	simm.s32 $0x0;
	s20 =	sshll.u32 s6, $0x1;
	s6 =	sadd.s32 s21, s4  }
0x9e: {  	[timem:s8], [sflag:s22] =	dma.local [hbm:s6], s20  }
0x9f: {  	_ =	swait.ge [sflag:s22], s20  }
0xa0: {  	s5 =	ssub.s32 $0x0, s20;
	[sflag:s22] =	ssyncset.done $0x0  }
0xa1: {  	[sflag:s22] =	ssyncadd.s32 s5;
	_ =	sdelay $0x1  }
0xa2: {  	s23 =	simm.s32 $0x1B8B  }
0xa3: {  	_ =	swait.ge [sflag:s23], $0x1  }
0xa4: {  	[sflag:s23] =	ssyncset.done $0x0  }
0xa5: {  	s25 =	simm.s32 $0x1B8E;
	s24 =	sld [smem:$0x3FFE];
	[sflag:s23] =	ssyncadd.s32 $0xFFFFFFFF  }
0xa6: {  	s26 =	simm.s32 $execute0_lowered;
	[smem:$0x3FD2] =	sst s25  }
0xa7: {  	s6 =	sshll.u32 s26, $0x1;
	_ =	strace $0x80000046;
	[dreg:$0x1] =	wrdreg $0xFFFFFFFF  }
0xa8: {  	s28 =	simm.s32 $_size_execute0_lowered;
	s4 =	sadd.s32 s4, s6;
	[dreg:$0x0] =	wrdreg $0x0  }
0xa9: {  	s6 =	sshll.u32 s28, $0x1;
	[dreg:$0x2] =	wrdreg s4  }
0xaa: {  	[dreg:$0x3] =	wrdreg s6  }
0xab: {  	[dreg:$0x4] =	wrdreg $0xC0  }
0xac: {  	_ =	task [dreg:s8], $0x5FFFF  }
0xad: {  	[dreg:$0x1] =	wrdreg $0xFFFFFFFF  }
0xae: {  	[dreg:$0x0] =	wrdreg $0x60  }
0xaf: {  	[dreg:$0x2] =	wrdreg s2  }
0xb0: {  	[dreg:$0x3] =	wrdreg s18  }
0xb1: {  	[dreg:$0x4] =	wrdreg s24  }
0xb2: {  	[dreg:$0x5] =	wrdreg $0x0  }
0xb3: {  	[dreg:$0x6] =	wrdreg $0x138800  }
0xb4: {  	[dreg:$0x7] =	wrdreg $0x9  }
0xb5: {  	_ =	task.clear_ibuf [dreg:s8], $0x8FFFF;
	_ =	strace $0x90000046  }
0xb6: {  	s29 =	simm.s32 $0x9;
	_ =	strace $0x80000048  }
0xb7: {  	_ =	swait.ge [sflag:s29], $0x1  }
0xb8: {  	[sflag:s29] =	ssyncadd.s32 $0xFFFFFFFF  }
0xb9: {  	_ =	strace $0x90000048  }
0xba: {  	_ =	sfence  }
0xbb: {  	s30 =	sld [smem:$0x0];
	_ =	sdelay $0x2  }
0xbc: {  	s31 =	sshll.u32 s1, $0xD;
	s1 =	sshrl.u32 s1, $0x2  }
0xbd: {  	s3 =	sand.u32 $0x4000, s31;
	s1 =	sadd.s32 s1, s30  }
0xbe: {  	s0 =	sor.u32 s3, s0;
	s1 =	sshll.u32 s1, $0x11  }
0xbf: {  	s0 =	sor.u32 s1, s0  }
0xc0: {  	s0 =	sadd.s32 $0x8F2B, s0  }
0xc1: {  	[sflag:s0] =	ssyncadd.remote.s32 $0x1  }
0xc2: {  	_ =	sfence.sel $0xFFFF  }
0xc3: {  	[dreg:$0x0] =	wrdreg $0xFFFFFFFF;
	(pc) =	sbr.abs _section_cstart, $3  }
0xc4: {  	[dreg:$0x1] =	wrdreg $0xFFFFFFFF  }
0xc5: {  	_ =	task.clear_ibuf [dreg:s8], $0x2FFFF;
	_ =	strace $0x9FFFFFFF  }
0xc6: {  	(tm) =	ssettm $0x7FFFFFFF  }
0xc7: {  	_ =	shalt  }
tec
execute0_lowered:
.L_overlay_start_1:
0x0: {  	(tag) =	ssettag $0x1  }
0x1: {  	s1 =	rddreg [dreg:$0x0]  }
0x2: {  	s2 =	rddreg [dreg:$0x1]  }
0x3: {  	s0 =	rddreg [dreg:$0x2]  }
0x4: {  	s3 =	srdreg.scid;
	s13 =	stileid.u32  }
0x5: {  	s4 =	rddreg [dreg:$0x3];
	s7 =	smul.u32 $0x13880, s13  }
0x6: {  	s5 =	rddreg [dreg:$0x4];
	s6 =	simm.s32 $0x0;
	s9 =	smul.u32 $0x2710, s13  }
0x7: {  	s28 =	simm.s32 $0x16F30;
	s3 =	sand.u32 $0x1, s3;
	s12 =	smul.u32 $0x271, s13  }
0x8: {  	s29 =	simm.s32 $0x6;
	s30 =	simm.s32 $0x1EC30;
	s8 =	smul.u32 $0x138800, s3  }
0x9: {  	s31 =	simm.s32 $0x15F90;
	[smem:$0x7FF] =	sst s6;
	s10 =	smul.u32 $0x27100, s3  }
0xa: {  	_ =	strace $0x80000047;
	s19 =	ssub.s32 $0x2, s3;
	s3 =	sshll.u32 s3, $0x4  }
0xb: {  	s20 =	sshrl.u32 s19, $0x1;
	s3 =	sor.u32 s13, s3;
	s21 =	sadd.s32 $0x50, s12  }
0xc: {  	s25 =	sadd.s32 $0xA0, s12;
	s16 =	sadd.s32 $0xF0, s12;
	s8 =	sadd.s32 s7, s8  }
0xd: {  	s18 =	sadd.s32 s9, s10;
	s10 =	ssub.s32 s19, s20;
	s7 =	sadd.s32 s7, s4  }
0xe: {  	s22 =	sshll.u32 s21, $0x7;
	s24 =	sshll.u32 s21, $0x4;
	s13 =	sshll.u32 s25, $0x4  }
0xf: {  	s17 =	sshll.u32 s16, $0x7;
	s8 =	sshrl.u32 s8, $0x3;
	[dreg:$0x6] =	wrdreg s7  }
0x10: {  	s23 =	sadd.s32 s22, s4;
	s26 =	sadd.s32 s24, s5;
	s7 =	sshll.u32 s25, $0x7  }
0x11: {  	s15 =	sadd.s32 s13, s5;
	s13 =	simm.s32 $0x1BF30;
	[dreg:$0x7] =	wrdreg s23  }
0x12: {  	s11 =	sadd.s32 s8, s0;
	s8 =	sshrl.u32 s18, $0x3;
	[dreg:$0x8] =	wrdreg s26  }
0x13: {  	s14 =	sadd.s32 s7, s4;
	[dreg:$0xa] =	wrdreg s15;
	s18 =	sadd.s32 s17, s4  }
0x14: {  	s23 =	sadd.s32 $0x190, s12;
	s26 =	sadd.s32 $0x1E0, s12;
	s0 =	sadd.s32 s8, s0  }
0x15: {  	s8 =	sadd.s32 s9, s5;
	[dreg:$0x9] =	wrdreg s14;
	s9 =	sshll.u32 s16, $0x4  }
0x16: {  	s14 =	sadd.s32 $0x140, s12;
	[dreg:$0xb] =	wrdreg s18;
	s25 =	sshll.u32 s23, $0x7  }
0x17: {  	s15 =	sshll.u32 s23, $0x4;
	s16 =	sshll.u32 s26, $0x7;
	s19 =	sadd.s32 s9, s5  }
0x18: {  	s20 =	sshll.u32 s14, $0x7;
	s22 =	sshll.u32 s14, $0x4;
	s9 =	sadd.s32 s25, s4  }
0x19: {  	s17 =	sadd.s32 s15, s5;
	s18 =	sadd.s32 s16, s4;
	[dreg:$0xc] =	wrdreg s19  }
0x1a: {  	s25 =	sadd.s32 $0xB600, s11;
	s0 =	sadd.s32 $0x1800, s0;
	[dreg:$0xf] =	wrdreg s9  }
0x1b: {  	s11 =	simm.s32 $0x1;
	s14 =	simm.s32 $0x1E730;
	[dreg:$0x10] =	wrdreg s17  }
0x1c: {  	s15 =	simm.s32 $0x2;
	s16 =	simm.s32 $0x4;
	[dreg:$0x11] =	wrdreg s18  }
0x1d: {  	s21 =	sadd.s32 s20, s4;
	s24 =	sadd.s32 s22, s5;
	[dreg:$0x15] =	wrdreg s25  }
0x1e: {  	s19 =	sadd.s32 $0x230, s12;
	s20 =	sshll.u32 s26, $0x4;
	[dreg:$0x16] =	wrdreg s0  }
0x1f: {  	s26 =	smax.u32 s10, $0x1;
	s0 =	simm.s32 $0x50;
	s10 =	simm.s32 $0x19730  }
0x20: {  	s12 =	simm.s32 $0x16030;
	s17 =	simm.s32 $0x3;
	[dreg:$0xd] =	wrdreg s21  }
0x21: {  	s18 =	simm.s32 $0x16710;
	[dreg:$0xe] =	wrdreg s24;
	s21 =	sshll.u32 s19, $0x7  }
0x22: {  	s9 =	sshll.u32 s19, $0x4;
	s22 =	sadd.s32 s20, s5;
	[dreg:$0x17] =	wrdreg s26  }
0x23: {  	s19 =	simm.s32 $0x16E40;
	s20 =	simm.s32 $0x16E90;
	[dreg:$0x12] =	wrdreg s22  }
0x24: {  	s23 =	sadd.s32 s21, s4;
	s24 =	sadd.s32 s9, s5;
	s9 =	simm.s32 $0x15FE0  }
0x25: {  	s21 =	simm.s32 $0x16EE0;
	s22 =	simm.s32 $0x5;
	[dreg:$0x13] =	wrdreg s23  }
0x26: {  	v0 =	vimm.f32 $0.0e+00;
	v1 =	vimm.f32 $1.000000000e+00;
	[dreg:$0x14] =	wrdreg s24;
	s23 =	smul.u32 $0x7D, s3;
	s3 =	simm.s32 $0x16760  }
.LBB2_1:
0x27: {  	s24 =	simm.s32 $0x16F70  }
0x28: {  	[tilespmem:s24+$0x20] =	vst v0  }
0x29: {  	[tilespmem:s24+$0x10] =	vst v0  }
0x2a: {  	[tilespmem:s24+$0x0] =	vst v0  }
0x2b: {  	[tilespmem:s24+$0xFFFFFFF0] =	vst v0  }
0x2c: {  	[tilespmem:s24+$0xFFFFFFE0] =	vst v0  }
0x2d: {  	[tilespmem:s24+$0xFFFFFFD0] =	vst v0  }
0x2e: {  	[tilespmem:s24+$0xFFFFFFC0] =	vst v0  }
0x2f: {  	s26 =	simm.s32 $0x0;
	s25 =	simm.s32 $0x40;
	[tilespmem:s24+$0x30] =	vst v0  }
.LBB2_2:
0x30: {  	p0 =	sne.s32 s25, $0x13C0;
	[tilespmem:s26+$0x1EC30] =	vst v0  }
0x31: {  	s24 =	sadd.s32 $0x80, s24;
	[tilespmem:s26+$0x1E730] =	vst v1  }
0x32: {  	[tilespmem:s24+$0x20] =	vst v0  }
0x33: {  	[tilespmem:s24+$0x10] =	vst v0  }
0x34: {  	[tilespmem:s24+$0x0] =	vst v0  }
.Ltmp0:
0x35: {  	[tilespmem:s24+$0xFFFFFFF0] =	vst v0;
	(pc) =	sbr.rel @p0 .LBB2_2-.Ltmp0, $4  }
0x36: {  	[tilespmem:s24+$0xFFFFFFE0] =	vst v0  }
0x37: {  	[tilespmem:s24+$0xFFFFFFD0] =	vst v0  }
0x38: {  	[tilespmem:s24+$0xFFFFFFC0] =	vst v0  }
0x39: {  	s26 =	sshra.s32 s25, $0x2;
	s25 =	sadd.s32 $0x40, s25;
	[tilespmem:s24+$0x30] =	vst v0  }
0x3a: {  	[tilespmem:s26+$0x1EC30] =	vst v0  }
0x3b: {  	[tilespmem:s26+$0x1E730] =	vst v1;
	s7 =	rddreg [dreg:$0x6]  }
0x3c: {  	[spmem:s7] =	stream.linear.scatter [tilespmem:s28], [sflag:$0x6], $0x2800, $0x38;
	[tilespmem:$0x1F130] =	vst v63  }
0x3d: {  	_ =	swait.ge [sflag:s29], $0x2800  }
0x3e: {  	[sflag:s29] =	ssyncset.done $0x0  }
0x3f: {  	[sflag:s29] =	ssyncadd.s32 $0xFFFFD800  }
0x40: {  	[spmem:s8] =	stream.linear.scatter [tilespmem:s30], [sflag:$0x6], $0x500, $0x38;
	[tilespmem:$0x1F130] =	vst v63  }
0x41: {  	_ =	swait.ge [sflag:s29], $0x500  }
0x42: {  	[sflag:s29] =	ssyncset.done $0x0  }
0x43: {  	s25 =	rddreg [dreg:$0x7];
	[sflag:s29] =	ssyncadd.s32 $0xFFFFFB00  }
0x44: {  	[spmem:s25] =	stream.linear.scatter [tilespmem:s28], [sflag:$0x6], $0x2800, $0x38;
	[tilespmem:$0x1F130] =	vst v63  }
0x45: {  	_ =	swait.ge [sflag:s29], $0x2800  }
0x46: {  	[sflag:s29] =	ssyncset.done $0x0  }
0x47: {  	s26 =	rddreg [dreg:$0x8];
	[sflag:s29] =	ssyncadd.s32 $0xFFFFD800  }
0x48: {  	[spmem:s26] =	stream.linear.scatter [tilespmem:s30], [sflag:$0x6], $0x500, $0x38;
	[tilespmem:$0x1F130] =	vst v63  }
0x49: {  	_ =	swait.ge [sflag:s29], $0x500  }
0x4a: {  	[sflag:s29] =	ssyncset.done $0x0  }
0x4b: {  	s24 =	rddreg [dreg:$0x9];
	[sflag:s29] =	ssyncadd.s32 $0xFFFFFB00  }
0x4c: {  	[spmem:s24] =	stream.linear.scatter [tilespmem:s28], [sflag:$0x6], $0x2800, $0x38;
	[tilespmem:$0x1F130] =	vst v63  }
0x4d: {  	_ =	swait.ge [sflag:s29], $0x2800  }
0x4e: {  	[sflag:s29] =	ssyncset.done $0x0  }
0x4f: {  	s25 =	rddreg [dreg:$0xa];
	[sflag:s29] =	ssyncadd.s32 $0xFFFFD800  }
0x50: {  	[spmem:s25] =	stream.linear.scatter [tilespmem:s30], [sflag:$0x6], $0x500, $0x38;
	[tilespmem:$0x1F130] =	vst v63  }
0x51: {  	_ =	swait.ge [sflag:s29], $0x500  }
0x52: {  	[sflag:s29] =	ssyncset.done $0x0  }
0x53: {  	s26 =	rddreg [dreg:$0xb];
	[sflag:s29] =	ssyncadd.s32 $0xFFFFFB00  }
0x54: {  	[spmem:s26] =	stream.linear.scatter [tilespmem:s28], [sflag:$0x6], $0x2800, $0x38;
	[tilespmem:$0x1F130] =	vst v63  }
0x55: {  	_ =	swait.ge [sflag:s29], $0x2800  }
0x56: {  	[sflag:s29] =	ssyncset.done $0x0  }
0x57: {  	s24 =	rddreg [dreg:$0xc];
	[sflag:s29] =	ssyncadd.s32 $0xFFFFD800  }
0x58: {  	[spmem:s24] =	stream.linear.scatter [tilespmem:s30], [sflag:$0x6], $0x500, $0x38;
	[tilespmem:$0x1F130] =	vst v63  }
0x59: {  	_ =	swait.ge [sflag:s29], $0x500  }
0x5a: {  	[sflag:s29] =	ssyncset.done $0x0  }
0x5b: {  	s25 =	rddreg [dreg:$0xd];
	[sflag:s29] =	ssyncadd.s32 $0xFFFFFB00  }
0x5c: {  	[spmem:s25] =	stream.linear.scatter [tilespmem:s28], [sflag:$0x6], $0x2800, $0x38;
	[tilespmem:$0x1F130] =	vst v63  }
0x5d: {  	_ =	swait.ge [sflag:s29], $0x2800  }
0x5e: {  	[sflag:s29] =	ssyncset.done $0x0  }
0x5f: {  	s26 =	rddreg [dreg:$0xe];
	[sflag:s29] =	ssyncadd.s32 $0xFFFFD800  }
0x60: {  	[spmem:s26] =	stream.linear.scatter [tilespmem:s30], [sflag:$0x6], $0x500, $0x38;
	[tilespmem:$0x1F130] =	vst v63  }
0x61: {  	_ =	swait.ge [sflag:s29], $0x500  }
0x62: {  	[sflag:s29] =	ssyncset.done $0x0  }
0x63: {  	s24 =	rddreg [dreg:$0xf];
	[sflag:s29] =	ssyncadd.s32 $0xFFFFFB00  }
0x64: {  	[spmem:s24] =	stream.linear.scatter [tilespmem:s28], [sflag:$0x6], $0x2800, $0x38;
	[tilespmem:$0x1F130] =	vst v63  }
0x65: {  	_ =	swait.ge [sflag:s29], $0x2800  }
0x66: {  	[sflag:s29] =	ssyncset.done $0x0  }
0x67: {  	s25 =	rddreg [dreg:$0x10];
	[sflag:s29] =	ssyncadd.s32 $0xFFFFD800  }
0x68: {  	[spmem:s25] =	stream.linear.scatter [tilespmem:s30], [sflag:$0x6], $0x500, $0x38;
	[tilespmem:$0x1F130] =	vst v63  }
0x69: {  	_ =	swait.ge [sflag:s29], $0x500  }
0x6a: {  	[sflag:s29] =	ssyncset.done $0x0  }
0x6b: {  	s26 =	rddreg [dreg:$0x11];
	[sflag:s29] =	ssyncadd.s32 $0xFFFFFB00  }
0x6c: {  	[spmem:s26] =	stream.linear.scatter [tilespmem:s28], [sflag:$0x6], $0x2800, $0x38;
	[tilespmem:$0x1F130] =	vst v63  }
0x6d: {  	_ =	swait.ge [sflag:s29], $0x2800  }
0x6e: {  	[sflag:s29] =	ssyncset.done $0x0  }
0x6f: {  	s24 =	rddreg [dreg:$0x12];
	[sflag:s29] =	ssyncadd.s32 $0xFFFFD800  }
0x70: {  	[spmem:s24] =	stream.linear.scatter [tilespmem:s30], [sflag:$0x6], $0x500, $0x38;
	[tilespmem:$0x1F130] =	vst v63  }
0x71: {  	_ =	swait.ge [sflag:s29], $0x500  }
0x72: {  	[sflag:s29] =	ssyncset.done $0x0  }
0x73: {  	s25 =	rddreg [dreg:$0x13];
	[sflag:s29] =	ssyncadd.s32 $0xFFFFFB00  }
0x74: {  	[spmem:s25] =	stream.linear.scatter [tilespmem:s28], [sflag:$0x6], $0x2080, $0x38;
	[tilespmem:$0x1F130] =	vst v63  }
0x75: {  	_ =	swait.ge [sflag:s29], $0x2080  }
0x76: {  	[sflag:s29] =	ssyncset.done $0x0  }
0x77: {  	s26 =	rddreg [dreg:$0x14];
	[sflag:s29] =	ssyncadd.s32 $0xFFFFDF80  }
0x78: {  	[spmem:s26] =	stream.linear.scatter [tilespmem:s30], [sflag:$0x6], $0x410, $0x38;
	[tilespmem:$0x1F130] =	vst v63  }
0x79: {  	_ =	swait.ge [sflag:s29], $0x410  }
0x7a: {  	[sflag:s29] =	ssyncset.done $0x0  }
0x7b: {  	[sflag:s29] =	ssyncadd.s32 $0xFFFFFBF0  }
0x7c: {  	s24 =	simm.s32 $0x0;
	[bflag:$0x0] =	sbarrier.arrive $0xFFFF  }
.LBB2_4:
0x7d: {  	p0 =	seq.s32 s24, $0x0  }
.Ltmp1:
0x7e: {  	_ = 	snop;
	(pc) =	sbr.rel @p0 .LBB2_6-.Ltmp1, $1  }
0x7f: {  	_ =	sdelay $0x3  }
0x80: {  	_ =	swait.ge [sflag:s16], $0x2800  }
0x81: {  	[sflag:s16] =	ssyncset.done $0x0  }
0x82: {  	[sflag:s16] =	ssyncadd.s32 $0xFFFFD800  }
0x83: {  	_ =	swait.ge [sflag:s22], $0x500  }
0x84: {  	[sflag:s22] =	ssyncset.done $0x0  }
0x85: {  	[sflag:s22] =	ssyncadd.s32 $0xFFFFFB00  }
0x86: {  	_ =	swait.ge [sflag:s22], $0x500  }
0x87: {  	[sflag:s22] =	ssyncset.done $0x0  }
0x88: {  	[sflag:s22] =	ssyncadd.s32 $0xFFFFFB00  }
0x89: {  	_ =	swait.ge [sflag:s22], $0x500  }
0x8a: {  	[sflag:s22] =	ssyncset.done $0x0  }
0x8b: {  	[sflag:s22] =	ssyncadd.s32 $0xFFFFFB00  }
0x8c: {  	_ =	swait.ge [sflag:s22], $0x500  }
0x8d: {  	[sflag:s22] =	ssyncset.done $0x0  }
0x8e: {  	[sflag:s22] =	ssyncadd.s32 $0xFFFFFB00  }
0x8f: {  	_ =	swait.ge [sflag:s22], $0x500  }
0x90: {  	[sflag:s22] =	ssyncset.done $0x0  }
0x91: {  	[sflag:s22] =	ssyncadd.s32 $0xFFFFFB00  }
0x92: {  	_ =	swait.ge [sflag:s22], $0x500  }
0x93: {  	[sflag:s22] =	ssyncset.done $0x0  }
0x94: {  	[sflag:s22] =	ssyncadd.s32 $0xFFFFFB00  }
0x95: {  	_ =	swait.ge [sflag:s22], $0x500  }
0x96: {  	[sflag:s22] =	ssyncset.done $0x0  }
0x97: {  	[sflag:s22] =	ssyncadd.s32 $0xFFFFFB00  }
0x98: {  	_ =	swait.ge [sflag:s22], $0x500  }
0x99: {  	[sflag:s22] =	ssyncset.done $0x0  }
0x9a: {  	[sflag:s22] =	ssyncadd.s32 $0xFFFFFB00  }
0x9b: {  	_ =	swait.ge [sflag:s22], $0x500  }
0x9c: {  	[sflag:s22] =	ssyncset.done $0x0  }
0x9d: {  	[sflag:s22] =	ssyncadd.s32 $0xFFFFFB00  }
0x9e: {  	_ =	swait.ge [sflag:s22], $0x500  }
0x9f: {  	[sflag:s22] =	ssyncset.done $0x0  }
0xa0: {  	[sflag:s22] =	ssyncadd.s32 $0xFFFFFB00  }
0xa1: {  	_ =	swait.ge [sflag:s22], $0x500  }
0xa2: {  	[sflag:s22] =	ssyncset.done $0x0  }
0xa3: {  	[sflag:s22] =	ssyncadd.s32 $0xFFFFFB00  }
0xa4: {  	_ =	swait.ge [sflag:s22], $0x500  }
0xa5: {  	[sflag:s22] =	ssyncset.done $0x0  }
0xa6: {  	[sflag:s22] =	ssyncadd.s32 $0xFFFFFB00  }
0xa7: {  	_ =	swait.ge [sflag:s22], $0x500  }
0xa8: {  	[sflag:s22] =	ssyncset.done $0x0  }
0xa9: {  	[sflag:s22] =	ssyncadd.s32 $0xFFFFFB00  }
0xaa: {  	_ =	swait.ge [sflag:s22], $0x500  }
0xab: {  	[sflag:s22] =	ssyncset.done $0x0  }
0xac: {  	[sflag:s22] =	ssyncadd.s32 $0xFFFFFB00  }
0xad: {  	_ =	swait.ge [sflag:s22], $0x500  }
0xae: {  	[sflag:s22] =	ssyncset.done $0x0  }
0xaf: {  	[sflag:s22] =	ssyncadd.s32 $0xFFFFFB00  }
0xb0: {  	_ =	swait.ge [sflag:s22], $0x500  }
0xb1: {  	[sflag:s22] =	ssyncset.done $0x0  }
0xb2: {  	[sflag:s22] =	ssyncadd.s32 $0xFFFFFB00  }
0xb3: {  	_ =	swait.ge [sflag:s22], $0x500  }
0xb4: {  	[sflag:s22] =	ssyncset.done $0x0  }
0xb5: {  	[sflag:s22] =	ssyncadd.s32 $0xFFFFFB00  }
0xb6: {  	_ =	swait.ge [sflag:s22], $0x500  }
0xb7: {  	[sflag:s22] =	ssyncset.done $0x0  }
0xb8: {  	[sflag:s22] =	ssyncadd.s32 $0xFFFFFB00  }
0xb9: {  	_ =	swait.ge [sflag:s22], $0x500  }
0xba: {  	[sflag:s22] =	ssyncset.done $0x0  }
0xbb: {  	[sflag:s22] =	ssyncadd.s32 $0xFFFFFB00  }
0xbc: {  	_ =	swait.ge [sflag:s22], $0x500  }
0xbd: {  	[sflag:s22] =	ssyncset.done $0x0  }
0xbe: {  	[sflag:s22] =	ssyncadd.s32 $0xFFFFFB00  }
0xbf: {  	_ =	swait.ge [sflag:s22], $0x500  }
0xc0: {  	[sflag:s22] =	ssyncset.done $0x0  }
0xc1: {  	[sflag:s22] =	ssyncadd.s32 $0xFFFFFB00  }
0xc2: {  	_ =	swait.ge [sflag:s22], $0x500  }
0xc3: {  	[sflag:s22] =	ssyncset.done $0x0  }
0xc4: {  	[sflag:s22] =	ssyncadd.s32 $0xFFFFFB00  }
0xc5: {  	_ =	swait.ge [sflag:s22], $0x500  }
0xc6: {  	[sflag:s22] =	ssyncset.done $0x0  }
0xc7: {  	[sflag:s22] =	ssyncadd.s32 $0xFFFFFB00  }
0xc8: {  	_ =	swait.ge [sflag:s22], $0x500  }
0xc9: {  	[sflag:s22] =	ssyncset.done $0x0  }
0xca: {  	[sflag:s22] =	ssyncadd.s32 $0xFFFFFB00  }
0xcb: {  	_ =	swait.ge [sflag:s22], $0x500  }
0xcc: {  	[sflag:s22] =	ssyncset.done $0x0  }
0xcd: {  	[sflag:s22] =	ssyncadd.s32 $0xFFFFFB00  }
.LBB2_6:
0xce: {  	s25 =	smul.u32 $0x19, s24;
	_ =	sdelay $0x1  }
0xcf: {  	s25 =	sadd.s32 s23, s25  }
0xd0: {  	s25 =	smul.u32 $0x50, s25;
	_ =	sdelay $0x1  }
0xd1: {  	s25 =	sshrl.u32 s25, $0x3  }
0xd2: {  	s26 =	simm.s32 $0x0;
	s25 =	sadd.s32 s2, s25  }
0xd3: {  	[tilespmem:s31], [sflag:$0x6] =	stream.linear.gather [hbm4b:s25+s26], $0x7D0, $0x38;
	[tilespmem:$0x1F130] =	vst v63  }
0xd4: {  	_ =	swait.ge [sflag:s29], $0x7D0  }
0xd5: {  	[sflag:s29] =	ssyncset.done $0x0  }
0xd6: {  	s25 =	sadd.s32 $0x9C40, s25;
	[sflag:s29] =	ssyncadd.s32 $0xFFFFF830  }
0xd7: {  	[tilespmem:s3], [sflag:$0x6] =	stream.linear.gather [hbm4b:s25+s26], $0x7D0, $0x38;
	[tilespmem:$0x1F130] =	vst v63  }
0xd8: {  	_ =	swait.ge [sflag:s29], $0x7D0  }
0xd9: {  	[sflag:s29] =	ssyncset.done $0x0  }
0xda: {  	[sflag:s29] =	ssyncadd.s32 $0xFFFFF830  }
0xdb: {  	[tilespmem:s28], [sflag:$0x1] =	stream.indirect.gather [hbm4b:s1+s0], $0x80, s31, s0, $0xb8;
	[tilespmem:$0x1F130] =	vst v63  }
0xdc: {  	_ = 	snop  }
0xdd: {  	[tilespmem:s10], [sflag:$0x2] =	stream.indirect.gather [hbm4b:s1+s0], $0x80, s9, s0, $0xb8;
	[tilespmem:$0x1F130] =	vst v63  }
0xde: {  	_ =	swait.ge [sflag:s11], $0x2800  }
0xdf: {  	[sflag:s11] =	ssyncset.done $0x0  }
0xe0: {  	[sflag:s11] =	ssyncadd.s32 $0xFFFFD800  }
0xe1: {  	[tilespmem:s13], [sflag:$0x3] =	stream.indirect.gather [hbm4b:s1+s0], $0x80, s12, s0, $0xb8;
	[tilespmem:$0x1F130] =	vst v63  }
0xe2: {  	_ = 	snop  }
0xe3: {  	[spmem:s4] =	stream.indirect.scatter.add.f32 [tilespmem:s28], [sflag:$0x4], $0x80, s3, s0, $0xb8;
	[tilespmem:$0x1F130] =	vst v63  }
0xe4: {  	_ = 	snop  }
0xe5: {  	[spmem:s5] =	stream.indirect.scatter.add.f32 [tilespmem:s14], [sflag:$0x5], $0x10, s3, s0, $0xb8;
	[tilespmem:$0x1F130] =	vst v63  }
0xe6: {  	_ =	swait.ge [sflag:s15], $0x2800  }
0xe7: {  	[sflag:s15] =	ssyncset.done $0x0  }
0xe8: {  	[sflag:s15] =	ssyncadd.s32 $0xFFFFD800  }
0xe9: {  	_ =	swait.ge [sflag:s16], $0x2800  }
0xea: {  	[sflag:s16] =	ssyncset.done $0x0  }
0xeb: {  	s26 =	simm.s32 $0x16080;
	[sflag:s16] =	ssyncadd.s32 $0xFFFFD800  }
0xec: {  	[tilespmem:s28], [sflag:$0x1] =	stream.indirect.gather [hbm4b:s1+s0], $0x80, s26, s0, $0xb8;
	[tilespmem:$0x1F130] =	vst v63  }
0xed: {  	s7 =	simm.s32 $0x167B0  }
0xee: {  	[spmem:s4] =	stream.indirect.scatter.add.f32 [tilespmem:s10], [sflag:$0x4], $0x80, s7, s0, $0xb8;
	[tilespmem:$0x1F130] =	vst v63  }
0xef: {  	_ = 	snop  }
0xf0: {  	[spmem:s5] =	stream.indirect.scatter.add.f32 [tilespmem:s14], [sflag:$0x5], $0x10, s7, s0, $0xb8;
	[tilespmem:$0x1F130] =	vst v63  }
0xf1: {  	_ =	swait.ge [sflag:s17], $0x2800  }
0xf2: {  	[sflag:s17] =	ssyncset.done $0x0  }
0xf3: {  	[sflag:s17] =	ssyncadd.s32 $0xFFFFD800  }
0xf4: {  	_ =	swait.ge [sflag:s16], $0x2800  }
0xf5: {  	[sflag:s16] =	ssyncset.done $0x0  }
0xf6: {  	s26 =	simm.s32 $0x160D0;
	[sflag:s16] =	ssyncadd.s32 $0xFFFFD800  }
0xf7: {  	[tilespmem:s10], [sflag:$0x2] =	stream.indirect.gather [hbm4b:s1+s0], $0x80, s26, s0, $0xb8;
	[tilespmem:$0x1F130] =	vst v63  }
0xf8: {  	s7 =	simm.s32 $0x16800  }
0xf9: {  	[spmem:s4] =	stream.indirect.scatter.add.f32 [tilespmem:s13], [sflag:$0x4], $0x80, s7, s0, $0xb8;
	[tilespmem:$0x1F130] =	vst v63  }
0xfa: {  	_ = 	snop  }
0xfb: {  	[spmem:s5] =	stream.indirect.scatter.add.f32 [tilespmem:s14], [sflag:$0x5], $0x10, s7, s0, $0xb8;
	[tilespmem:$0x1F130] =	vst v63  }
0xfc: {  	_ =	swait.ge [sflag:s11], $0x2800  }
0xfd: {  	[sflag:s11] =	ssyncset.done $0x0  }
0xfe: {  	[sflag:s11] =	ssyncadd.s32 $0xFFFFD800  }
0xff: {  	_ =	swait.ge [sflag:s16], $0x2800  }
0x100: {  	[sflag:s16] =	ssyncset.done $0x0  }
0x101: {  	s26 =	simm.s32 $0x16120;
	[sflag:s16] =	ssyncadd.s32 $0xFFFFD800  }
0x102: {  	[tilespmem:s13], [sflag:$0x3] =	stream.indirect.gather [hbm4b:s1+s0], $0x80, s26, s0, $0xb8;
	[tilespmem:$0x1F130] =	vst v63  }
0x103: {  	s25 =	simm.s32 $0x3C0;
	s26 =	simm.s32 $0x16850  }
0x104: {  	[spmem:s4] =	stream.indirect.scatter.add.f32 [tilespmem:s28], [sflag:$0x4], $0x80, s26, s0, $0xb8;
	[tilespmem:$0x1F130] =	vst v63  }
.LBB2_7:
0x105: {  	[spmem:s5] =	stream.indirect.scatter.add.f32 [tilespmem:s14], [sflag:$0x5], $0x10, s26, s0, $0xb8;
	[tilespmem:$0x1F130] =	vst v63  }
0x106: {  	s26 =	smov.u32 s25  }
0x107: {  	p0 =	sne.s32 s25, $0x1680;
	s25 =	sadd.s32 $0x3C0, s25;
	_ =	swait.ge [sflag:s15], $0x2800  }
0x108: {  	[sflag:s15] =	ssyncset.done $0x0  }
0x109: {  	[sflag:s15] =	ssyncadd.s32 $0xFFFFD800  }
0x10a: {  	_ =	swait.ge [sflag:s16], $0x2800  }
0x10b: {  	s26 =	sshra.s32 s26, $0x2;
	[sflag:s16] =	ssyncset.done $0x0  }
0x10c: {  	s7 =	sadd.s32 $0x16080, s26;
	[sflag:s16] =	ssyncadd.s32 $0xFFFFD800  }
0x10d: {  	[tilespmem:s28], [sflag:$0x1] =	stream.indirect.gather [hbm4b:s1+s0], $0x80, s7, s0, $0xb8;
	[tilespmem:$0x1F130] =	vst v63  }
0x10e: {  	s7 =	sadd.s32 $0x167B0, s26  }
0x10f: {  	[spmem:s4] =	stream.indirect.scatter.add.f32 [tilespmem:s10], [sflag:$0x4], $0x80, s7, s0, $0xb8;
	[tilespmem:$0x1F130] =	vst v63  }
0x110: {  	_ = 	snop  }
0x111: {  	[spmem:s5] =	stream.indirect.scatter.add.f32 [tilespmem:s14], [sflag:$0x5], $0x10, s7, s0, $0xb8;
	[tilespmem:$0x1F130] =	vst v63  }
0x112: {  	_ =	swait.ge [sflag:s17], $0x2800  }
0x113: {  	[sflag:s17] =	ssyncset.done $0x0  }
0x114: {  	[sflag:s17] =	ssyncadd.s32 $0xFFFFD800  }
0x115: {  	_ =	swait.ge [sflag:s16], $0x2800  }
0x116: {  	[sflag:s16] =	ssyncset.done $0x0  }
0x117: {  	s7 =	sadd.s32 $0x160D0, s26;
	[sflag:s16] =	ssyncadd.s32 $0xFFFFD800  }
0x118: {  	[tilespmem:s10], [sflag:$0x2] =	stream.indirect.gather [hbm4b:s1+s0], $0x80, s7, s0, $0xb8;
	[tilespmem:$0x1F130] =	vst v63  }
0x119: {  	s7 =	sadd.s32 $0x16800, s26  }
0x11a: {  	[spmem:s4] =	stream.indirect.scatter.add.f32 [tilespmem:s13], [sflag:$0x4], $0x80, s7, s0, $0xb8;
	[tilespmem:$0x1F130] =	vst v63  }
0x11b: {  	_ = 	snop  }
0x11c: {  	[spmem:s5] =	stream.indirect.scatter.add.f32 [tilespmem:s14], [sflag:$0x5], $0x10, s7, s0, $0xb8;
	[tilespmem:$0x1F130] =	vst v63  }
0x11d: {  	_ =	swait.ge [sflag:s11], $0x2800  }
0x11e: {  	[sflag:s11] =	ssyncset.done $0x0  }
0x11f: {  	[sflag:s11] =	ssyncadd.s32 $0xFFFFD800  }
0x120: {  	_ =	swait.ge [sflag:s16], $0x2800  }
.Ltmp2:
0x121: {  	[sflag:s16] =	ssyncset.done $0x0;
	(pc) =	sbr.rel @p0 .LBB2_7-.Ltmp2, $4  }
0x122: {  	s7 =	sadd.s32 $0x16120, s26;
	[sflag:s16] =	ssyncadd.s32 $0xFFFFD800  }
0x123: {  	[tilespmem:s13], [sflag:$0x3] =	stream.indirect.gather [hbm4b:s1+s0], $0x80, s7, s0, $0xb8;
	[tilespmem:$0x1F130] =	vst v63  }
0x124: {  	s26 =	sadd.s32 $0x16850, s26  }
0x125: {  	[spmem:s4] =	stream.indirect.scatter.add.f32 [tilespmem:s28], [sflag:$0x4], $0x80, s26, s0, $0xb8;
	[tilespmem:$0x1F130] =	vst v63  }
0x126: {  	[spmem:s5] =	stream.indirect.scatter.add.f32 [tilespmem:s14], [sflag:$0x5], $0x10, s26, s0, $0xb8;
	[tilespmem:$0x1F130] =	vst v63  }
0x127: {  	_ =	swait.ge [sflag:s15], $0x2800  }
0x128: {  	[sflag:s15] =	ssyncset.done $0x0  }
0x129: {  	[sflag:s15] =	ssyncadd.s32 $0xFFFFD800  }
0x12a: {  	_ =	swait.ge [sflag:s16], $0x2800  }
0x12b: {  	[sflag:s16] =	ssyncset.done $0x0  }
0x12c: {  	[sflag:s16] =	ssyncadd.s32 $0xFFFFD800  }
0x12d: {  	[tilespmem:s28], [sflag:$0x1] =	stream.indirect.gather [hbm4b:s1+s0], $0x80, s18, s0, $0xb8;
	[tilespmem:$0x1F130] =	vst v63  }
0x12e: {  	_ = 	snop  }
0x12f: {  	[spmem:s4] =	stream.indirect.scatter.add.f32 [tilespmem:s10], [sflag:$0x4], $0x80, s19, s0, $0xb8;
	[tilespmem:$0x1F130] =	vst v63  }
0x130: {  	_ = 	snop  }
0x131: {  	[spmem:s5] =	stream.indirect.scatter.add.f32 [tilespmem:s14], [sflag:$0x5], $0x10, s19, s0, $0xb8;
	[tilespmem:$0x1F130] =	vst v63  }
0x132: {  	_ =	swait.ge [sflag:s17], $0x2800  }
0x133: {  	[sflag:s17] =	ssyncset.done $0x0  }
0x134: {  	[sflag:s17] =	ssyncadd.s32 $0xFFFFD800  }
0x135: {  	_ =	swait.ge [sflag:s16], $0x2800  }
0x136: {  	[sflag:s16] =	ssyncset.done $0x0  }
0x137: {  	[sflag:s16] =	ssyncadd.s32 $0xFFFFD800  }
0x138: {  	[spmem:s4] =	stream.indirect.scatter.add.f32 [tilespmem:s13], [sflag:$0x4], $0x80, s20, s0, $0xb8;
	[tilespmem:$0x1F130] =	vst v63  }
0x139: {  	_ = 	snop  }
0x13a: {  	[spmem:s5] =	stream.indirect.scatter.add.f32 [tilespmem:s14], [sflag:$0x5], $0x10, s20, s0, $0xb8;
	[tilespmem:$0x1F130] =	vst v63  }
0x13b: {  	_ =	swait.ge [sflag:s11], $0x2800  }
0x13c: {  	[sflag:s11] =	ssyncset.done $0x0  }
0x13d: {  	s24 =	sadd.s32 $0x1, s24;
	[sflag:s11] =	ssyncadd.s32 $0xFFFFD800  }
0x13e: {  	p0 =	sne.s32 s24, $0x5;
	_ =	swait.ge [sflag:s16], $0x2800  }
.Ltmp3:
0x13f: {  	[sflag:s16] =	ssyncset.done $0x0;
	(pc) =	sbr.rel @p0 .LBB2_4-.Ltmp3, $4  }
0x140: {  	[sflag:s16] =	ssyncadd.s32 $0xFFFFD800  }
0x141: {  	[spmem:s4] =	stream.indirect.scatter.add.f32 [tilespmem:s28], [sflag:$0x4], $0x80, s21, s0, $0xb8;
	[tilespmem:$0x1F130] =	vst v63  }
0x142: {  	_ = 	snop  }
0x143: {  	[spmem:s5] =	stream.indirect.scatter.add.f32 [tilespmem:s14], [sflag:$0x5], $0x10, s21, s0, $0xb8;
	[tilespmem:$0x1F130] =	vst v63  }
0x144: {  	_ =	swait.ge [sflag:s16], $0x2800  }
0x145: {  	[sflag:s16] =	ssyncset.done $0x0  }
0x146: {  	[sflag:s16] =	ssyncadd.s32 $0xFFFFD800  }
0x147: {  	_ =	swait.ge [sflag:s22], $0x500  }
0x148: {  	[sflag:s22] =	ssyncset.done $0x0  }
0x149: {  	[sflag:s22] =	ssyncadd.s32 $0xFFFFFB00  }
0x14a: {  	_ =	swait.ge [sflag:s22], $0x500  }
0x14b: {  	[sflag:s22] =	ssyncset.done $0x0  }
0x14c: {  	[sflag:s22] =	ssyncadd.s32 $0xFFFFFB00  }
0x14d: {  	_ =	swait.ge [sflag:s22], $0x500  }
0x14e: {  	[sflag:s22] =	ssyncset.done $0x0  }
0x14f: {  	[sflag:s22] =	ssyncadd.s32 $0xFFFFFB00  }
0x150: {  	_ =	swait.ge [sflag:s22], $0x500  }
0x151: {  	[sflag:s22] =	ssyncset.done $0x0  }
0x152: {  	[sflag:s22] =	ssyncadd.s32 $0xFFFFFB00  }
0x153: {  	_ =	swait.ge [sflag:s22], $0x500  }
0x154: {  	[sflag:s22] =	ssyncset.done $0x0  }
0x155: {  	[sflag:s22] =	ssyncadd.s32 $0xFFFFFB00  }
0x156: {  	_ =	swait.ge [sflag:s22], $0x500  }
0x157: {  	[sflag:s22] =	ssyncset.done $0x0  }
0x158: {  	[sflag:s22] =	ssyncadd.s32 $0xFFFFFB00  }
0x159: {  	_ =	swait.ge [sflag:s22], $0x500  }
0x15a: {  	[sflag:s22] =	ssyncset.done $0x0  }
0x15b: {  	[sflag:s22] =	ssyncadd.s32 $0xFFFFFB00  }
0x15c: {  	_ =	swait.ge [sflag:s22], $0x500  }
0x15d: {  	[sflag:s22] =	ssyncset.done $0x0  }
0x15e: {  	[sflag:s22] =	ssyncadd.s32 $0xFFFFFB00  }
0x15f: {  	_ =	swait.ge [sflag:s22], $0x500  }
0x160: {  	[sflag:s22] =	ssyncset.done $0x0  }
0x161: {  	[sflag:s22] =	ssyncadd.s32 $0xFFFFFB00  }
0x162: {  	_ =	swait.ge [sflag:s22], $0x500  }
0x163: {  	[sflag:s22] =	ssyncset.done $0x0  }
0x164: {  	[sflag:s22] =	ssyncadd.s32 $0xFFFFFB00  }
0x165: {  	_ =	swait.ge [sflag:s22], $0x500  }
0x166: {  	[sflag:s22] =	ssyncset.done $0x0  }
0x167: {  	[sflag:s22] =	ssyncadd.s32 $0xFFFFFB00  }
0x168: {  	_ =	swait.ge [sflag:s22], $0x500  }
0x169: {  	[sflag:s22] =	ssyncset.done $0x0  }
0x16a: {  	[sflag:s22] =	ssyncadd.s32 $0xFFFFFB00  }
0x16b: {  	_ =	swait.ge [sflag:s22], $0x500  }
0x16c: {  	[sflag:s22] =	ssyncset.done $0x0  }
0x16d: {  	[sflag:s22] =	ssyncadd.s32 $0xFFFFFB00  }
0x16e: {  	_ =	swait.ge [sflag:s22], $0x500  }
0x16f: {  	[sflag:s22] =	ssyncset.done $0x0  }
0x170: {  	[sflag:s22] =	ssyncadd.s32 $0xFFFFFB00  }
0x171: {  	_ =	swait.ge [sflag:s22], $0x500  }
0x172: {  	[sflag:s22] =	ssyncset.done $0x0  }
0x173: {  	[sflag:s22] =	ssyncadd.s32 $0xFFFFFB00  }
0x174: {  	_ =	swait.ge [sflag:s22], $0x500  }
0x175: {  	[sflag:s22] =	ssyncset.done $0x0  }
0x176: {  	[sflag:s22] =	ssyncadd.s32 $0xFFFFFB00  }
0x177: {  	_ =	swait.ge [sflag:s22], $0x500  }
0x178: {  	[sflag:s22] =	ssyncset.done $0x0  }
0x179: {  	[sflag:s22] =	ssyncadd.s32 $0xFFFFFB00  }
0x17a: {  	_ =	swait.ge [sflag:s22], $0x500  }
0x17b: {  	[sflag:s22] =	ssyncset.done $0x0  }
0x17c: {  	[sflag:s22] =	ssyncadd.s32 $0xFFFFFB00  }
0x17d: {  	_ =	swait.ge [sflag:s22], $0x500  }
0x17e: {  	[sflag:s22] =	ssyncset.done $0x0  }
0x17f: {  	[sflag:s22] =	ssyncadd.s32 $0xFFFFFB00  }
0x180: {  	_ =	swait.ge [sflag:s22], $0x500  }
0x181: {  	[sflag:s22] =	ssyncset.done $0x0  }
0x182: {  	[sflag:s22] =	ssyncadd.s32 $0xFFFFFB00  }
0x183: {  	_ =	swait.ge [sflag:s22], $0x500  }
0x184: {  	[sflag:s22] =	ssyncset.done $0x0  }
0x185: {  	[sflag:s22] =	ssyncadd.s32 $0xFFFFFB00  }
0x186: {  	_ =	swait.ge [sflag:s22], $0x500  }
0x187: {  	[sflag:s22] =	ssyncset.done $0x0  }
0x188: {  	[sflag:s22] =	ssyncadd.s32 $0xFFFFFB00  }
0x189: {  	_ =	swait.ge [sflag:s22], $0x500  }
0x18a: {  	[sflag:s22] =	ssyncset.done $0x0  }
0x18b: {  	[sflag:s22] =	ssyncadd.s32 $0xFFFFFB00  }
0x18c: {  	_ =	swait.ge [sflag:s22], $0x500  }
0x18d: {  	[sflag:s22] =	ssyncset.done $0x0  }
0x18e: {  	[sflag:s22] =	ssyncadd.s32 $0xFFFFFB00  }
0x18f: {  	_ =	swait.ge [sflag:s22], $0x500  }
0x190: {  	[sflag:s22] =	ssyncset.done $0x0  }
0x191: {  	[sflag:s22] =	ssyncadd.s32 $0xFFFFFB00  }
0x192: {  	s7 =	stileid.u32;
	[bflag:$0x0] =	sbarrier.arrive $0xFFFF  }
0x193: {  	s7 =	sshll.u32 s7, $0x6;
	s24 =	rddreg [dreg:$0x6]  }
0x194: {  	s7 =	sor.u32 $0x1C06, s7;
	s25 =	rddreg [dreg:$0x15];
	s24 =	sshrl.u32 s24, $0x3  }
0x195: {  	[hbm:s25], [sflag:s7] =	dma.local [spmem:s24], $0x2710  }
0x196: {  	_ =	swait.ge [sflag:s29], $0x2710  }
0x197: {  	[sflag:s29] =	ssyncset.done $0x0  }
0x198: {  	s25 =	sshrl.u32 s8, $0x3;
	s26 =	rddreg [dreg:$0x16];
	[sflag:s29] =	ssyncadd.s32 $0xFFFFD8F0  }
0x199: {  	[hbm:s26], [sflag:s7] =	dma.local [spmem:s25], $0x4E2  }
0x19a: {  	_ =	swait.ge [sflag:s29], $0x4E2  }
0x19b: {  	s6 =	sadd.s32 $0x1, s6;
	s26 =	rddreg [dreg:$0x17]  }
0x19c: {  	p0 =	sne.s32 s6, s26  }
.Ltmp4:
0x19d: {  	_ = 	snop;
	(pc) =	sbr.rel @p0 .LBB2_1-.Ltmp4, $3  }
0x19e: {  	_ =	sdelay $0x1  }
0x19f: {  	[sflag:s29] =	ssyncset.done $0x0  }
0x1a0: {  	[sflag:s29] =	ssyncadd.s32 $0xFFFFFB1E  }
0x1a1: {  	_ =	sfence.sel $0x180000  }
0x1a2: {  	[bflag:$0x0] =	sbarrier.arrive $0xFFFF  }
0x1a3: {  	_ =	strace $0x90000047  }
0x1a4: {  	s0 =	stileid.u32;
	[bflag:$0x2] =	sbarrier.arrive $0xFFFF  }
0x1a5: {  	p0 =	sne.s32 s0, $0x0;
	s0 =	rddreg [dreg:$0x5]  }
0x1a6: {  	s0 =	sadd.s32 @!p0 $0x100000, s0  }
0x1a7: {  	[sflag:s0] =	ssyncadd.tile.s32 @!p0 $0x1;
	_ =	shalt  }
.Lfunc_end2:
_tile_overlayer_lowered:
.L_overlay_start_2:
0x1a8: {  	(tag) =	ssettag $0x2  }
0x1a9: {  	s0 =	rddreg [dreg:$0x0];
	s2 =	stileid.u32  }
0x1aa: {  	s1 =	rddreg [dreg:$0x1];
	p0 =	sne.s32 s2, $0x0  }
0x1ab: {  	s3 =	rddreg [dreg:$0x2];
	[bflag:$0x3] =	sbarrier.arrive $0xFFFF;
	s2 =	simm.s32 @!p0 $0x1C06  }
0x1ac: {  	[timem:s3], [sflag:s2] =	dma.local @!p0 [hbm:s0], s1  }
0x1ad: {  	s0 =	simm.s32 @!p0 $0x6  }
0x1ae: {  	_ =	swait.ge @!p0 [sflag:s0], s1  }
0x1af: {  	s1 =	ssub.s32 @!p0 $0x0, s1;
	[sflag:s0] =	ssyncset.done @!p0 $0x0  }
0x1b0: {  	[sflag:s0] =	ssyncadd.s32 @!p0 s1  }
0x1b1: {  	[bflag:$0x3] =	sbarrier.arrive $0xFFFF  }
0x1b2: {  	_ =	shalt  }

</sc_bundles>
